<compile_context>
chip_gen: v7x
topology: tpu7x:2x2x1
jax: 0.10.2.dev20260603
libtpu: 0.0.44.dev20260713+nightly
codegen_flags: <defaults>
</compile_context>

<pallas_src>
import functools

import jax
import jax.numpy as jnp
from jax import lax
from jax.experimental import pallas as pl
from jax.experimental.pallas import tpu as pltpu
from jax.experimental.pallas import tpu_sc as plsc

B = 16384
EMB = 64
NC = 2
NS = 16
NW = NC * NS
BPW = B // NW
CHUNK = 128
NCHUNK = BPW // CHUNK

_mesh = plsc.VectorSubcoreMesh(core_axis_name="c", subcore_axis_name="s")


@functools.partial(
    pl.kernel,
    out_type=jax.ShapeDtypeStruct((B,), jnp.float32),
    mesh=_mesh,
    compiler_params=pltpu.CompilerParams(needs_layout_passes=False,
                                         use_tc_tiling_on_sc=False),
    scratch_types=[
        pltpu.VMEM((NCHUNK, CHUNK), jnp.int32),
        pltpu.VMEM((NCHUNK, CHUNK), jnp.int32),
        pltpu.VMEM((NCHUNK, CHUNK, EMB), jnp.float32),
        pltpu.VMEM((NCHUNK, CHUNK, EMB), jnp.float32),
        pltpu.VMEM((NCHUNK, CHUNK), jnp.float32),
        pltpu.VMEM((NCHUNK, CHUNK), jnp.float32),
        pltpu.VMEM((BPW * 16,), jnp.float32),
        pltpu.VMEM((BPW,), jnp.float32),
        pltpu.SemaphoreType.DMA,
    ],
)
def _sc_kernel(users_hbm, items_hbm, uemb_hbm, iemb_hbm, ubias_hbm,
               ibias_hbm, out_hbm, uidx, iidx, urows, irows, ub, ib,
               part, outb, sem):
    wid = lax.axis_index("s") * NC + lax.axis_index("c")
    base = wid * BPW

    for j in range(NCHUNK):
        pltpu.sync_copy(users_hbm.at[pl.ds(base + j * CHUNK, CHUNK)],
                        uidx.at[j])
        pltpu.sync_copy(items_hbm.at[pl.ds(base + j * CHUNK, CHUNK)],
                        iidx.at[j])

    handles = []
    for j in range(NCHUNK):
        handles.append(pltpu.async_copy(uemb_hbm.at[uidx.at[j]],
                                        urows.at[j], sem))
        handles.append(pltpu.async_copy(iemb_hbm.at[iidx.at[j]],
                                        irows.at[j], sem))
        handles.append(pltpu.async_copy(ubias_hbm.at[uidx.at[j]],
                                        ub.at[j], sem))
        handles.append(pltpu.async_copy(ibias_hbm.at[iidx.at[j]],
                                        ib.at[j], sem))
    for h in handles:
        h.wait()

    for j in range(NCHUNK):
        def row_body(r, _, j=j):
            acc = (urows[j, r, pl.ds(0, 16)] * irows[j, r, pl.ds(0, 16)])
            for k in range(1, EMB // 16):
                acc = acc + (urows[j, r, pl.ds(k * 16, 16)]
                             * irows[j, r, pl.ds(k * 16, 16)])
            part[pl.ds((j * CHUNK + r) * 16, 16)] = acc
            return 0
        lax.fori_loop(0, CHUNK, row_body, 0)

    iota16 = lax.iota(jnp.int32, 16)
    for j in range(NCHUNK):
        def grp_body(g, _, j=j):
            row0 = j * CHUNK + g * 16
            vec0 = row0 * 16 + iota16 * 16
            acc = plsc.load_gather(part, [vec0])
            for l in range(1, 16):
                acc = acc + plsc.load_gather(part, [vec0 + l])
            res = acc + ub[j, pl.ds(g * 16, 16)] + ib[j, pl.ds(g * 16, 16)]
            outb[pl.ds(row0, 16)] = res
            return 0
        lax.fori_loop(0, CHUNK // 16, grp_body, 0)

    pltpu.sync_copy(outb, out_hbm.at[pl.ds(base, BPW)])


def kernel(users, items, user_emb, item_emb, user_bias, item_bias):
    return _sc_kernel(users.astype(jnp.int32), items.astype(jnp.int32),
                      user_emb, item_emb, user_bias.reshape(-1),
                      item_bias.reshape(-1))

# --- scband reference (transcript-rebuilt; emitter-appended) ---
"""Pipeline reference for scband-recommender-790273983140 (READ-ONLY COPY).

The authoritative reference and input builder live on the scoring server;
editing this copy changes nothing except your own understanding.
"""

import jax, jax.numpy as jnp
import numpy as np

NUM_USERS = 1000000
NUM_ITEMS = 1000000
EMB = 64
BATCH = 16384

def setup_inputs(seed: int = 0) -> dict:
    key = jax.random.key(seed)
    k1, k2, k3, k4, k5, k6 = jax.random.split(key, 6)
    users = jax.random.randint(k1, (BATCH,), 0, NUM_USERS, dtype=jnp.int64) if jax.config.jax_enable_x64 else jax.random.randint(k1, (BATCH,), 0, NUM_USERS, dtype=jnp.int32)
    items = jax.random.randint(k2, (BATCH,), 0, NUM_ITEMS, dtype=jnp.int32)
    user_emb = jax.random.normal(k3, (NUM_USERS, EMB), dtype=jnp.float32)
    item_emb = jax.random.normal(k4, (NUM_ITEMS, EMB), dtype=jnp.float32)
    user_bias = jax.random.normal(k5, (NUM_USERS, 1), dtype=jnp.float32)
    item_bias = jax.random.normal(k6, (NUM_ITEMS, 1), dtype=jnp.float32)
    return {"users": users, "items": items, "user_emb": user_emb, "item_emb": item_emb, "user_bias": user_bias, "item_bias": item_bias}

def reference(users, items, user_emb, item_emb, user_bias, item_bias):
    users_emb = jnp.take(user_emb, users, axis=0)   # [B, EMB]
    items_emb = jnp.take(item_emb, items, axis=0)   # [B, EMB]
    bias = jnp.take(user_bias, users, axis=0) + jnp.take(item_bias, items, axis=0)  # [B, 1]
    return (users_emb * items_emb).sum(axis=1) + jnp.squeeze(bias, axis=-1)

if __name__ == "__main__":
    import jax
    _d = setup_inputs()
    print(jax.jit(kernel)(*tuple(_d.values())))

</pallas_src>

<mosaic_0001>
#map = affine_map<(d0, d1) -> (0)>
#map1 = affine_map<(d0, d1) -> (0, 0)>
module attributes {stable_mosaic.version = 14 : i64} {
  func.func @_sc_kernel(%arg0: i32, %arg1: i32, %arg2: memref<16384xi32, #tpu.memory_space<hbm>>, %arg3: memref<16384xi32, #tpu.memory_space<hbm>>, %arg4: memref<1000000x64xf32, #tpu.memory_space<hbm>>, %arg5: memref<1000000x64xf32, #tpu.memory_space<hbm>>, %arg6: memref<1000000xf32, #tpu.memory_space<hbm>>, %arg7: memref<1000000xf32, #tpu.memory_space<hbm>>, %arg8: memref<16384xf32, #tpu.memory_space<hbm>>, %arg9: memref<4x128xi32, #tpu.memory_space<vmem>>, %arg10: memref<4x128xi32, #tpu.memory_space<vmem>>, %arg11: memref<4x128x64xf32, #tpu.memory_space<vmem>>, %arg12: memref<4x128x64xf32, #tpu.memory_space<vmem>>, %arg13: memref<4x128xf32, #tpu.memory_space<vmem>>, %arg14: memref<4x128xf32, #tpu.memory_space<vmem>>, %arg15: memref<8192xf32, #tpu.memory_space<vmem>>, %arg16: memref<512xf32, #tpu.memory_space<vmem>>, %arg17: memref<!tpu.dma_semaphore, #tpu.memory_space<semaphore_mem>>) attributes {dimension_semantics = [#tpu.dimension_semantics<core_parallel>, #tpu.dimension_semantics<subcore_parallel>], iteration_bounds = array<i64: 2, 16>, scalar_prefetch = 0 : i64, scratch_operands = 9 : i64, tpu.core_type = #tpu.core_type<sc_vector_subcore>, window_params = [{transform_indices = #map}, {transform_indices = #map}, {transform_indices = #map1}, {transform_indices = #map1}, {transform_indices = #map}, {transform_indices = #map}, {transform_indices = #map}]} {
    %mul3A = arith.constant 2 : i32
    %mul3A_0 = arith.muli %arg1, %mul3A : i32
    %add3A = arith.addi %mul3A_0, %arg0 : i32
    %mul3A_1 = arith.constant 512 : i32
    %mul3A_2 = arith.muli %add3A, %mul3A_1 : i32
    %add3A_3 = arith.constant 0 : i32
    %add3A_4 = arith.addi %mul3A_2, %add3A_3 : i32
    %run_scoped3A = arith.constant 0 : i32
    "tpu.region"() ({
      %run_scoped3A_431 = tpu.sem_alloc : memref<!tpu.dma_semaphore, #tpu.memory_space<semaphore_mem>>
      %dma_start3A_432 = arith.constant 0 : i32
      %dma_start3A_433 = tpu.memref_slice %arg9[%run_scoped3A, %dma_start3A_432] : memref<4x128xi32, #tpu.memory_space<vmem>> -> memref<1x128xi32, #tpu.memory_space<vmem>>
      %dma_start3A_434 = tpu.memref_squeeze %dma_start3A_433 : memref<1x128xi32, #tpu.memory_space<vmem>> -> memref<128xi32, #tpu.memory_space<vmem>>
      %dma_start3A_435 = tpu.memref_slice %arg2[%add3A_4] : memref<16384xi32, #tpu.memory_space<hbm>> -> memref<128xi32, #tpu.memory_space<hbm>>
      %dma_start3A_436 = arith.constant 0 : i32
      %dma_start3A_437 = tpu.memref_slice %arg9[%run_scoped3A, %dma_start3A_436] : memref<4x128xi32, #tpu.memory_space<vmem>> -> memref<1x128xi32, #tpu.memory_space<vmem>>
      %dma_start3A_438 = tpu.memref_squeeze %dma_start3A_437 : memref<1x128xi32, #tpu.memory_space<vmem>> -> memref<128xi32, #tpu.memory_space<vmem>>
      %dma_start3A_439 = tpu.memref_slice %arg2[%add3A_4] : memref<16384xi32, #tpu.memory_space<hbm>> -> memref<128xi32, #tpu.memory_space<hbm>>
      tpu.enqueue_dma source(%dma_start3A_439 : memref<128xi32, #tpu.memory_space<hbm>>) target(%dma_start3A_438 : memref<128xi32, #tpu.memory_space<vmem>>) target_semaphore(%run_scoped3A_431 : memref<!tpu.dma_semaphore, #tpu.memory_space<semaphore_mem>>)
      %dma_wait3A_440 = arith.constant 0 : i32
      %dma_wait3A_441 = tpu.memref_slice %arg9[%run_scoped3A, %dma_wait3A_440] : memref<4x128xi32, #tpu.memory_space<vmem>> -> memref<1x128xi32, #tpu.memory_space<vmem>>
      %dma_wait3A_442 = tpu.memref_squeeze %dma_wait3A_441 : memref<1x128xi32, #tpu.memory_space<vmem>> -> memref<128xi32, #tpu.memory_space<vmem>>
      %dma_wait3A_443 = tpu.memref_slice %arg2[%add3A_4] : memref<16384xi32, #tpu.memory_space<hbm>> -> memref<128xi32, #tpu.memory_space<hbm>>
      %dma_wait3A_444 = arith.constant 0 : i32
      %dma_wait3A_445 = tpu.memref_slice %arg9[%run_scoped3A, %dma_wait3A_444] : memref<4x128xi32, #tpu.memory_space<vmem>> -> memref<1x128xi32, #tpu.memory_space<vmem>>
      %dma_wait3A_446 = tpu.memref_squeeze %dma_wait3A_445 : memref<1x128xi32, #tpu.memory_space<vmem>> -> memref<128xi32, #tpu.memory_space<vmem>>
      %dma_wait3A_447 = tpu.memref_slice %arg2[%add3A_4] : memref<16384xi32, #tpu.memory_space<hbm>> -> memref<128xi32, #tpu.memory_space<hbm>>
      tpu.wait_dma2 semaphore(%run_scoped3A_431 : memref<!tpu.dma_semaphore, #tpu.memory_space<semaphore_mem>>) src(%dma_wait3A_447 : memref<128xi32, #tpu.memory_space<hbm>>) dst(%dma_wait3A_446 : memref<128xi32, #tpu.memory_space<vmem>>)
      tpu.yield
    }) : () -> ()
    %add3A_5 = arith.constant 0 : i32
    %add3A_6 = arith.addi %mul3A_2, %add3A_5 : i32
    %run_scoped3A_7 = arith.constant 0 : i32
    "tpu.region"() ({
      %run_scoped3A_431 = tpu.sem_alloc : memref<!tpu.dma_semaphore, #tpu.memory_space<semaphore_mem>>
      %dma_start3A_432 = arith.constant 0 : i32
      %dma_start3A_433 = tpu.memref_slice %arg10[%run_scoped3A_7, %dma_start3A_432] : memref<4x128xi32, #tpu.memory_space<vmem>> -> memref<1x128xi32, #tpu.memory_space<vmem>>
      %dma_start3A_434 = tpu.memref_squeeze %dma_start3A_433 : memref<1x128xi32, #tpu.memory_space<vmem>> -> memref<128xi32, #tpu.memory_space<vmem>>
      %dma_start3A_435 = tpu.memref_slice %arg3[%add3A_6] : memref<16384xi32, #tpu.memory_space<hbm>> -> memref<128xi32, #tpu.memory_space<hbm>>
      %dma_start3A_436 = arith.constant 0 : i32
      %dma_start3A_437 = tpu.memref_slice %arg10[%run_scoped3A_7, %dma_start3A_436] : memref<4x128xi32, #tpu.memory_space<vmem>> -> memref<1x128xi32, #tpu.memory_space<vmem>>
      %dma_start3A_438 = tpu.memref_squeeze %dma_start3A_437 : memref<1x128xi32, #tpu.memory_space<vmem>> -> memref<128xi32, #tpu.memory_space<vmem>>
      %dma_start3A_439 = tpu.memref_slice %arg3[%add3A_6] : memref<16384xi32, #tpu.memory_space<hbm>> -> memref<128xi32, #tpu.memory_space<hbm>>
      tpu.enqueue_dma source(%dma_start3A_439 : memref<128xi32, #tpu.memory_space<hbm>>) target(%dma_start3A_438 : memref<128xi32, #tpu.memory_space<vmem>>) target_semaphore(%run_scoped3A_431 : memref<!tpu.dma_semaphore, #tpu.memory_space<semaphore_mem>>)
      %dma_wait3A_440 = arith.constant 0 : i32
      %dma_wait3A_441 = tpu.memref_slice %arg10[%run_scoped3A_7, %dma_wait3A_440] : memref<4x128xi32, #tpu.memory_space<vmem>> -> memref<1x128xi32, #tpu.memory_space<vmem>>
      %dma_wait3A_442 = tpu.memref_squeeze %dma_wait3A_441 : memref<1x128xi32, #tpu.memory_space<vmem>> -> memref<128xi32, #tpu.memory_space<vmem>>
      %dma_wait3A_443 = tpu.memref_slice %arg3[%add3A_6] : memref<16384xi32, #tpu.memory_space<hbm>> -> memref<128xi32, #tpu.memory_space<hbm>>
      %dma_wait3A_444 = arith.constant 0 : i32
      %dma_wait3A_445 = tpu.memref_slice %arg10[%run_scoped3A_7, %dma_wait3A_444] : memref<4x128xi32, #tpu.memory_space<vmem>> -> memref<1x128xi32, #tpu.memory_space<vmem>>
      %dma_wait3A_446 = tpu.memref_squeeze %dma_wait3A_445 : memref<1x128xi32, #tpu.memory_space<vmem>> -> memref<128xi32, #tpu.memory_space<vmem>>
      %dma_wait3A_447 = tpu.memref_slice %arg3[%add3A_6] : memref<16384xi32, #tpu.memory_space<hbm>> -> memref<128xi32, #tpu.memory_space<hbm>>
      tpu.wait_dma2 semaphore(%run_scoped3A_431 : memref<!tpu.dma_semaphore, #tpu.memory_space<semaphore_mem>>) src(%dma_wait3A_447 : memref<128xi32, #tpu.memory_space<hbm>>) dst(%dma_wait3A_446 : memref<128xi32, #tpu.memory_space<vmem>>)
      tpu.yield
    }) : () -> ()
    %add3A_8 = arith.constant 128 : i32
    %add3A_9 = arith.addi %mul3A_2, %add3A_8 : i32
    %run_scoped3A_10 = arith.constant 1 : i32
    "tpu.region"() ({
      %run_scoped3A_431 = tpu.sem_alloc : memref<!tpu.dma_semaphore, #tpu.memory_space<semaphore_mem>>
      %dma_start3A_432 = arith.constant 0 : i32
      %dma_start3A_433 = tpu.memref_slice %arg9[%run_scoped3A_10, %dma_start3A_432] : memref<4x128xi32, #tpu.memory_space<vmem>> -> memref<1x128xi32, #tpu.memory_space<vmem>>
      %dma_start3A_434 = tpu.memref_squeeze %dma_start3A_433 : memref<1x128xi32, #tpu.memory_space<vmem>> -> memref<128xi32, #tpu.memory_space<vmem>>
      %dma_start3A_435 = tpu.memref_slice %arg2[%add3A_9] : memref<16384xi32, #tpu.memory_space<hbm>> -> memref<128xi32, #tpu.memory_space<hbm>>
      %dma_start3A_436 = arith.constant 0 : i32
      %dma_start3A_437 = tpu.memref_slice %arg9[%run_scoped3A_10, %dma_start3A_436] : memref<4x128xi32, #tpu.memory_space<vmem>> -> memref<1x128xi32, #tpu.memory_space<vmem>>
      %dma_start3A_438 = tpu.memref_squeeze %dma_start3A_437 : memref<1x128xi32, #tpu.memory_space<vmem>> -> memref<128xi32, #tpu.memory_space<vmem>>
      %dma_start3A_439 = tpu.memref_slice %arg2[%add3A_9] : memref<16384xi32, #tpu.memory_space<hbm>> -> memref<128xi32, #tpu.memory_space<hbm>>
      tpu.enqueue_dma source(%dma_start3A_439 : memref<128xi32, #tpu.memory_space<hbm>>) target(%dma_start3A_438 : memref<128xi32, #tpu.memory_space<vmem>>) target_semaphore(%run_scoped3A_431 : memref<!tpu.dma_semaphore, #tpu.memory_space<semaphore_mem>>)
      %dma_wait3A_440 = arith.constant 0 : i32
      %dma_wait3A_441 = tpu.memref_slice %arg9[%run_scoped3A_10, %dma_wait3A_440] : memref<4x128xi32, #tpu.memory_space<vmem>> -> memref<1x128xi32, #tpu.memory_space<vmem>>
      %dma_wait3A_442 = tpu.memref_squeeze %dma_wait3A_441 : memref<1x128xi32, #tpu.memory_space<vmem>> -> memref<128xi32, #tpu.memory_space<vmem>>
      %dma_wait3A_443 = tpu.memref_slice %arg2[%add3A_9] : memref<16384xi32, #tpu.memory_space<hbm>> -> memref<128xi32, #tpu.memory_space<hbm>>
      %dma_wait3A_444 = arith.constant 0 : i32
      %dma_wait3A_445 = tpu.memref_slice %arg9[%run_scoped3A_10, %dma_wait3A_444] : memref<4x128xi32, #tpu.memory_space<vmem>> -> memref<1x128xi32, #tpu.memory_space<vmem>>
      %dma_wait3A_446 = tpu.memref_squeeze %dma_wait3A_445 : memref<1x128xi32, #tpu.memory_space<vmem>> -> memref<128xi32, #tpu.memory_space<vmem>>
      %dma_wait3A_447 = tpu.memref_slice %arg2[%add3A_9] : memref<16384xi32, #tpu.memory_space<hbm>> -> memref<128xi32, #tpu.memory_space<hbm>>
      tpu.wait_dma2 semaphore(%run_scoped3A_431 : memref<!tpu.dma_semaphore, #tpu.memory_space<semaphore_mem>>) src(%dma_wait3A_447 : memref<128xi32, #tpu.memory_space<hbm>>) dst(%dma_wait3A_446 : memref<128xi32, #tpu.memory_space<vmem>>)
      tpu.yield
    }) : () -> ()
    %add3A_11 = arith.constant 128 : i32
    %add3A_12 = arith.addi %mul3A_2, %add3A_11 : i32
    %run_scoped3A_13 = arith.constant 1 : i32
    "tpu.region"() ({
      %run_scoped3A_431 = tpu.sem_alloc : memref<!tpu.dma_semaphore, #tpu.memory_space<semaphore_mem>>
      %dma_start3A_432 = arith.constant 0 : i32
      %dma_start3A_433 = tpu.memref_slice %arg10[%run_scoped3A_13, %dma_start3A_432] : memref<4x128xi32, #tpu.memory_space<vmem>> -> memref<1x128xi32, #tpu.memory_space<vmem>>
      %dma_start3A_434 = tpu.memref_squeeze %dma_start3A_433 : memref<1x128xi32, #tpu.memory_space<vmem>> -> memref<128xi32, #tpu.memory_space<vmem>>
      %dma_start3A_435 = tpu.memref_slice %arg3[%add3A_12] : memref<16384xi32, #tpu.memory_space<hbm>> -> memref<128xi32, #tpu.memory_space<hbm>>
      %dma_start3A_436 = arith.constant 0 : i32
      %dma_start3A_437 = tpu.memref_slice %arg10[%run_scoped3A_13, %dma_start3A_436] : memref<4x128xi32, #tpu.memory_space<vmem>> -> memref<1x128xi32, #tpu.memory_space<vmem>>
      %dma_start3A_438 = tpu.memref_squeeze %dma_start3A_437 : memref<1x128xi32, #tpu.memory_space<vmem>> -> memref<128xi32, #tpu.memory_space<vmem>>
      %dma_start3A_439 = tpu.memref_slice %arg3[%add3A_12] : memref<16384xi32, #tpu.memory_space<hbm>> -> memref<128xi32, #tpu.memory_space<hbm>>
      tpu.enqueue_dma source(%dma_start3A_439 : memref<128xi32, #tpu.memory_space<hbm>>) target(%dma_start3A_438 : memref<128xi32, #tpu.memory_space<vmem>>) target_semaphore(%run_scoped3A_431 : memref<!tpu.dma_semaphore, #tpu.memory_space<semaphore_mem>>)
      %dma_wait3A_440 = arith.constant 0 : i32
      %dma_wait3A_441 = tpu.memref_slice %arg10[%run_scoped3A_13, %dma_wait3A_440] : memref<4x128xi32, #tpu.memory_space<vmem>> -> memref<1x128xi32, #tpu.memory_space<vmem>>
      %dma_wait3A_442 = tpu.memref_squeeze %dma_wait3A_441 : memref<1x128xi32, #tpu.memory_space<vmem>> -> memref<128xi32, #tpu.memory_space<vmem>>
      %dma_wait3A_443 = tpu.memref_slice %arg3[%add3A_12] : memref<16384xi32, #tpu.memory_space<hbm>> -> memref<128xi32, #tpu.memory_space<hbm>>
      %dma_wait3A_444 = arith.constant 0 : i32
      %dma_wait3A_445 = tpu.memref_slice %arg10[%run_scoped3A_13, %dma_wait3A_444] : memref<4x128xi32, #tpu.memory_space<vmem>> -> memref<1x128xi32, #tpu.memory_space<vmem>>
      %dma_wait3A_446 = tpu.memref_squeeze %dma_wait3A_445 : memref<1x128xi32, #tpu.memory_space<vmem>> -> memref<128xi32, #tpu.memory_space<vmem>>
      %dma_wait3A_447 = tpu.memref_slice %arg3[%add3A_12] : memref<16384xi32, #tpu.memory_space<hbm>> -> memref<128xi32, #tpu.memory_space<hbm>>
      tpu.wait_dma2 semaphore(%run_scoped3A_431 : memref<!tpu.dma_semaphore, #tpu.memory_space<semaphore_mem>>) src(%dma_wait3A_447 : memref<128xi32, #tpu.memory_space<hbm>>) dst(%dma_wait3A_446 : memref<128xi32, #tpu.memory_space<vmem>>)
      tpu.yield
    }) : () -> ()
    %add3A_14 = arith.constant 256 : i32
    %add3A_15 = arith.addi %mul3A_2, %add3A_14 : i32
    %run_scoped3A_16 = arith.constant 2 : i32
    "tpu.region"() ({
      %run_scoped3A_431 = tpu.sem_alloc : memref<!tpu.dma_semaphore, #tpu.memory_space<semaphore_mem>>
      %dma_start3A_432 = arith.constant 0 : i32
      %dma_start3A_433 = tpu.memref_slice %arg9[%run_scoped3A_16, %dma_start3A_432] : memref<4x128xi32, #tpu.memory_space<vmem>> -> memref<1x128xi32, #tpu.memory_space<vmem>>
      %dma_start3A_434 = tpu.memref_squeeze %dma_start3A_433 : memref<1x128xi32, #tpu.memory_space<vmem>> -> memref<128xi32, #tpu.memory_space<vmem>>
      %dma_start3A_435 = tpu.memref_slice %arg2[%add3A_15] : memref<16384xi32, #tpu.memory_space<hbm>> -> memref<128xi32, #tpu.memory_space<hbm>>
      %dma_start3A_436 = arith.constant 0 : i32
      %dma_start3A_437 = tpu.memref_slice %arg9[%run_scoped3A_16, %dma_start3A_436] : memref<4x128xi32, #tpu.memory_space<vmem>> -> memref<1x128xi32, #tpu.memory_space<vmem>>
      %dma_start3A_438 = tpu.memref_squeeze %dma_start3A_437 : memref<1x128xi32, #tpu.memory_space<vmem>> -> memref<128xi32, #tpu.memory_space<vmem>>
      %dma_start3A_439 = tpu.memref_slice %arg2[%add3A_15] : memref<16384xi32, #tpu.memory_space<hbm>> -> memref<128xi32, #tpu.memory_space<hbm>>
      tpu.enqueue_dma source(%dma_start3A_439 : memref<128xi32, #tpu.memory_space<hbm>>) target(%dma_start3A_438 : memref<128xi32, #tpu.memory_space<vmem>>) target_semaphore(%run_scoped3A_431 : memref<!tpu.dma_semaphore, #tpu.memory_space<semaphore_mem>>)
      %dma_wait3A_440 = arith.constant 0 : i32
      %dma_wait3A_441 = tpu.memref_slice %arg9[%run_scoped3A_16, %dma_wait3A_440] : memref<4x128xi32, #tpu.memory_space<vmem>> -> memref<1x128xi32, #tpu.memory_space<vmem>>
      %dma_wait3A_442 = tpu.memref_squeeze %dma_wait3A_441 : memref<1x128xi32, #tpu.memory_space<vmem>> -> memref<128xi32, #tpu.memory_space<vmem>>
      %dma_wait3A_443 = tpu.memref_slice %arg2[%add3A_15] : memref<16384xi32, #tpu.memory_space<hbm>> -> memref<128xi32, #tpu.memory_space<hbm>>
      %dma_wait3A_444 = arith.constant 0 : i32
      %dma_wait3A_445 = tpu.memref_slice %arg9[%run_scoped3A_16, %dma_wait3A_444] : memref<4x128xi32, #tpu.memory_space<vmem>> -> memref<1x128xi32, #tpu.memory_space<vmem>>
      %dma_wait3A_446 = tpu.memref_squeeze %dma_wait3A_445 : memref<1x128xi32, #tpu.memory_space<vmem>> -> memref<128xi32, #tpu.memory_space<vmem>>
      %dma_wait3A_447 = tpu.memref_slice %arg2[%add3A_15] : memref<16384xi32, #tpu.memory_space<hbm>> -> memref<128xi32, #tpu.memory_space<hbm>>
      tpu.wait_dma2 semaphore(%run_scoped3A_431 : memref<!tpu.dma_semaphore, #tpu.memory_space<semaphore_mem>>) src(%dma_wait3A_447 : memref<128xi32, #tpu.memory_space<hbm>>) dst(%dma_wait3A_446 : memref<128xi32, #tpu.memory_space<vmem>>)
      tpu.yield
    }) : () -> ()
    %add3A_17 = arith.constant 256 : i32
    %add3A_18 = arith.addi %mul3A_2, %add3A_17 : i32
    %run_scoped3A_19 = arith.constant 2 : i32
    "tpu.region"() ({
      %run_scoped3A_431 = tpu.sem_alloc : memref<!tpu.dma_semaphore, #tpu.memory_space<semaphore_mem>>
      %dma_start3A_432 = arith.constant 0 : i32
      %dma_start3A_433 = tpu.memref_slice %arg10[%run_scoped3A_19, %dma_start3A_432] : memref<4x128xi32, #tpu.memory_space<vmem>> -> memref<1x128xi32, #tpu.memory_space<vmem>>
      %dma_start3A_434 = tpu.memref_squeeze %dma_start3A_433 : memref<1x128xi32, #tpu.memory_space<vmem>> -> memref<128xi32, #tpu.memory_space<vmem>>
      %dma_start3A_435 = tpu.memref_slice %arg3[%add3A_18] : memref<16384xi32, #tpu.memory_space<hbm>> -> memref<128xi32, #tpu.memory_space<hbm>>
      %dma_start3A_436 = arith.constant 0 : i32
      %dma_start3A_437 = tpu.memref_slice %arg10[%run_scoped3A_19, %dma_start3A_436] : memref<4x128xi32, #tpu.memory_space<vmem>> -> memref<1x128xi32, #tpu.memory_space<vmem>>
      %dma_start3A_438 = tpu.memref_squeeze %dma_start3A_437 : memref<1x128xi32, #tpu.memory_space<vmem>> -> memref<128xi32, #tpu.memory_space<vmem>>
      %dma_start3A_439 = tpu.memref_slice %arg3[%add3A_18] : memref<16384xi32, #tpu.memory_space<hbm>> -> memref<128xi32, #tpu.memory_space<hbm>>
      tpu.enqueue_dma source(%dma_start3A_439 : memref<128xi32, #tpu.memory_space<hbm>>) target(%dma_start3A_438 : memref<128xi32, #tpu.memory_space<vmem>>) target_semaphore(%run_scoped3A_431 : memref<!tpu.dma_semaphore, #tpu.memory_space<semaphore_mem>>)
      %dma_wait3A_440 = arith.constant 0 : i32
      %dma_wait3A_441 = tpu.memref_slice %arg10[%run_scoped3A_19, %dma_wait3A_440] : memref<4x128xi32, #tpu.memory_space<vmem>> -> memref<1x128xi32, #tpu.memory_space<vmem>>
      %dma_wait3A_442 = tpu.memref_squeeze %dma_wait3A_441 : memref<1x128xi32, #tpu.memory_space<vmem>> -> memref<128xi32, #tpu.memory_space<vmem>>
      %dma_wait3A_443 = tpu.memref_slice %arg3[%add3A_18] : memref<16384xi32, #tpu.memory_space<hbm>> -> memref<128xi32, #tpu.memory_space<hbm>>
      %dma_wait3A_444 = arith.constant 0 : i32
      %dma_wait3A_445 = tpu.memref_slice %arg10[%run_scoped3A_19, %dma_wait3A_444] : memref<4x128xi32, #tpu.memory_space<vmem>> -> memref<1x128xi32, #tpu.memory_space<vmem>>
      %dma_wait3A_446 = tpu.memref_squeeze %dma_wait3A_445 : memref<1x128xi32, #tpu.memory_space<vmem>> -> memref<128xi32, #tpu.memory_space<vmem>>
      %dma_wait3A_447 = tpu.memref_slice %arg3[%add3A_18] : memref<16384xi32, #tpu.memory_space<hbm>> -> memref<128xi32, #tpu.memory_space<hbm>>
      tpu.wait_dma2 semaphore(%run_scoped3A_431 : memref<!tpu.dma_semaphore, #tpu.memory_space<semaphore_mem>>) src(%dma_wait3A_447 : memref<128xi32, #tpu.memory_space<hbm>>) dst(%dma_wait3A_446 : memref<128xi32, #tpu.memory_space<vmem>>)
      tpu.yield
    }) : () -> ()
    %add3A_20 = arith.constant 384 : i32
    %add3A_21 = arith.addi %mul3A_2, %add3A_20 : i32
    %run_scoped3A_22 = arith.constant 3 : i32
    "tpu.region"() ({
      %run_scoped3A_431 = tpu.sem_alloc : memref<!tpu.dma_semaphore, #tpu.memory_space<semaphore_mem>>
      %dma_start3A_432 = arith.constant 0 : i32
      %dma_start3A_433 = tpu.memref_slice %arg9[%run_scoped3A_22, %dma_start3A_432] : memref<4x128xi32, #tpu.memory_space<vmem>> -> memref<1x128xi32, #tpu.memory_space<vmem>>
      %dma_start3A_434 = tpu.memref_squeeze %dma_start3A_433 : memref<1x128xi32, #tpu.memory_space<vmem>> -> memref<128xi32, #tpu.memory_space<vmem>>
      %dma_start3A_435 = tpu.memref_slice %arg2[%add3A_21] : memref<16384xi32, #tpu.memory_space<hbm>> -> memref<128xi32, #tpu.memory_space<hbm>>
      %dma_start3A_436 = arith.constant 0 : i32
      %dma_start3A_437 = tpu.memref_slice %arg9[%run_scoped3A_22, %dma_start3A_436] : memref<4x128xi32, #tpu.memory_space<vmem>> -> memref<1x128xi32, #tpu.memory_space<vmem>>
      %dma_start3A_438 = tpu.memref_squeeze %dma_start3A_437 : memref<1x128xi32, #tpu.memory_space<vmem>> -> memref<128xi32, #tpu.memory_space<vmem>>
      %dma_start3A_439 = tpu.memref_slice %arg2[%add3A_21] : memref<16384xi32, #tpu.memory_space<hbm>> -> memref<128xi32, #tpu.memory_space<hbm>>
      tpu.enqueue_dma source(%dma_start3A_439 : memref<128xi32, #tpu.memory_space<hbm>>) target(%dma_start3A_438 : memref<128xi32, #tpu.memory_space<vmem>>) target_semaphore(%run_scoped3A_431 : memref<!tpu.dma_semaphore, #tpu.memory_space<semaphore_mem>>)
      %dma_wait3A_440 = arith.constant 0 : i32
      %dma_wait3A_441 = tpu.memref_slice %arg9[%run_scoped3A_22, %dma_wait3A_440] : memref<4x128xi32, #tpu.memory_space<vmem>> -> memref<1x128xi32, #tpu.memory_space<vmem>>
      %dma_wait3A_442 = tpu.memref_squeeze %dma_wait3A_441 : memref<1x128xi32, #tpu.memory_space<vmem>> -> memref<128xi32, #tpu.memory_space<vmem>>
      %dma_wait3A_443 = tpu.memref_slice %arg2[%add3A_21] : memref<16384xi32, #tpu.memory_space<hbm>> -> memref<128xi32, #tpu.memory_space<hbm>>
      %dma_wait3A_444 = arith.constant 0 : i32
      %dma_wait3A_445 = tpu.memref_slice %arg9[%run_scoped3A_22, %dma_wait3A_444] : memref<4x128xi32, #tpu.memory_space<vmem>> -> memref<1x128xi32, #tpu.memory_space<vmem>>
      %dma_wait3A_446 = tpu.memref_squeeze %dma_wait3A_445 : memref<1x128xi32, #tpu.memory_space<vmem>> -> memref<128xi32, #tpu.memory_space<vmem>>
      %dma_wait3A_447 = tpu.memref_slice %arg2[%add3A_21] : memref<16384xi32, #tpu.memory_space<hbm>> -> memref<128xi32, #tpu.memory_space<hbm>>
      tpu.wait_dma2 semaphore(%run_scoped3A_431 : memref<!tpu.dma_semaphore, #tpu.memory_space<semaphore_mem>>) src(%dma_wait3A_447 : memref<128xi32, #tpu.memory_space<hbm>>) dst(%dma_wait3A_446 : memref<128xi32, #tpu.memory_space<vmem>>)
      tpu.yield
    }) : () -> ()
    %add3A_23 = arith.constant 384 : i32
    %add3A_24 = arith.addi %mul3A_2, %add3A_23 : i32
    %run_scoped3A_25 = arith.constant 3 : i32
    "tpu.region"() ({
      %run_scoped3A_431 = tpu.sem_alloc : memref<!tpu.dma_semaphore, #tpu.memory_space<semaphore_mem>>
      %dma_start3A_432 = arith.constant 0 : i32
      %dma_start3A_433 = tpu.memref_slice %arg10[%run_scoped3A_25, %dma_start3A_432] : memref<4x128xi32, #tpu.memory_space<vmem>> -> memref<1x128xi32, #tpu.memory_space<vmem>>
      %dma_start3A_434 = tpu.memref_squeeze %dma_start3A_433 : memref<1x128xi32, #tpu.memory_space<vmem>> -> memref<128xi32, #tpu.memory_space<vmem>>
      %dma_start3A_435 = tpu.memref_slice %arg3[%add3A_24] : memref<16384xi32, #tpu.memory_space<hbm>> -> memref<128xi32, #tpu.memory_space<hbm>>
      %dma_start3A_436 = arith.constant 0 : i32
      %dma_start3A_437 = tpu.memref_slice %arg10[%run_scoped3A_25, %dma_start3A_436] : memref<4x128xi32, #tpu.memory_space<vmem>> -> memref<1x128xi32, #tpu.memory_space<vmem>>
      %dma_start3A_438 = tpu.memref_squeeze %dma_start3A_437 : memref<1x128xi32, #tpu.memory_space<vmem>> -> memref<128xi32, #tpu.memory_space<vmem>>
      %dma_start3A_439 = tpu.memref_slice %arg3[%add3A_24] : memref<16384xi32, #tpu.memory_space<hbm>> -> memref<128xi32, #tpu.memory_space<hbm>>
      tpu.enqueue_dma source(%dma_start3A_439 : memref<128xi32, #tpu.memory_space<hbm>>) target(%dma_start3A_438 : memref<128xi32, #tpu.memory_space<vmem>>) target_semaphore(%run_scoped3A_431 : memref<!tpu.dma_semaphore, #tpu.memory_space<semaphore_mem>>)
      %dma_wait3A_440 = arith.constant 0 : i32
      %dma_wait3A_441 = tpu.memref_slice %arg10[%run_scoped3A_25, %dma_wait3A_440] : memref<4x128xi32, #tpu.memory_space<vmem>> -> memref<1x128xi32, #tpu.memory_space<vmem>>
      %dma_wait3A_442 = tpu.memref_squeeze %dma_wait3A_441 : memref<1x128xi32, #tpu.memory_space<vmem>> -> memref<128xi32, #tpu.memory_space<vmem>>
      %dma_wait3A_443 = tpu.memref_slice %arg3[%add3A_24] : memref<16384xi32, #tpu.memory_space<hbm>> -> memref<128xi32, #tpu.memory_space<hbm>>
      %dma_wait3A_444 = arith.constant 0 : i32
      %dma_wait3A_445 = tpu.memref_slice %arg10[%run_scoped3A_25, %dma_wait3A_444] : memref<4x128xi32, #tpu.memory_space<vmem>> -> memref<1x128xi32, #tpu.memory_space<vmem>>
      %dma_wait3A_446 = tpu.memref_squeeze %dma_wait3A_445 : memref<1x128xi32, #tpu.memory_space<vmem>> -> memref<128xi32, #tpu.memory_space<vmem>>
      %dma_wait3A_447 = tpu.memref_slice %arg3[%add3A_24] : memref<16384xi32, #tpu.memory_space<hbm>> -> memref<128xi32, #tpu.memory_space<hbm>>
      tpu.wait_dma2 semaphore(%run_scoped3A_431 : memref<!tpu.dma_semaphore, #tpu.memory_space<semaphore_mem>>) src(%dma_wait3A_447 : memref<128xi32, #tpu.memory_space<hbm>>) dst(%dma_wait3A_446 : memref<128xi32, #tpu.memory_space<vmem>>)
      tpu.yield
    }) : () -> ()
    %dma_start3A = arith.constant 0 : i32
    %dma_start3A_26 = arith.constant 0 : i32
    %dma_start3A_27 = arith.constant 0 : i32
    %dma_start3A_28 = arith.constant 0 : i32
    %dma_start3A_29 = tpu.memref_slice %arg11[%dma_start3A_26, %dma_start3A_27, %dma_start3A_28] : memref<4x128x64xf32, #tpu.memory_space<vmem>> -> memref<1x128x64xf32, #tpu.memory_space<vmem>>
    %dma_start3A_30 = tpu.memref_squeeze %dma_start3A_29 : memref<1x128x64xf32, #tpu.memory_space<vmem>> -> memref<128x64xf32, #tpu.memory_space<vmem>>
    %dma_start3A_31 = arith.constant 0 : i32
    %dma_start3A_32 = tpu.memref_slice %arg9[%dma_start3A, %dma_start3A_31] : memref<4x128xi32, #tpu.memory_space<vmem>> -> memref<1x128xi32, #tpu.memory_space<vmem>>
    %dma_start3A_33 = tpu.memref_squeeze %dma_start3A_32 : memref<1x128xi32, #tpu.memory_space<vmem>> -> memref<128xi32, #tpu.memory_space<vmem>>
    %dma_start3A_34 = arith.constant 0 : i32
    %dma_start3A_35 = arith.constant 0 : i32
    %dma_start3A_36 = tpu.memref_slice %arg4[%dma_start3A_34, %dma_start3A_35] : memref<1000000x64xf32, #tpu.memory_space<hbm>> -> memref<1000000x64xf32, #tpu.memory_space<hbm>>
    tpu.enqueue_indirect_dma source(%dma_start3A_36 : memref<1000000x64xf32, #tpu.memory_space<hbm>>) target(%dma_start3A_30 : memref<128x64xf32, #tpu.memory_space<vmem>>) offsets(%dma_start3A_33 : memref<128xi32, #tpu.memory_space<vmem>>) semaphore(%arg17 : memref<!tpu.dma_semaphore, #tpu.memory_space<semaphore_mem>>)
    %dma_start3A_37 = arith.constant 0 : i32
    %dma_start3A_38 = arith.constant 0 : i32
    %dma_start3A_39 = arith.constant 0 : i32
    %dma_start3A_40 = arith.constant 0 : i32
    %dma_start3A_41 = tpu.memref_slice %arg12[%dma_start3A_38, %dma_start3A_39, %dma_start3A_40] : memref<4x128x64xf32, #tpu.memory_space<vmem>> -> memref<1x128x64xf32, #tpu.memory_space<vmem>>
    %dma_start3A_42 = tpu.memref_squeeze %dma_start3A_41 : memref<1x128x64xf32, #tpu.memory_space<vmem>> -> memref<128x64xf32, #tpu.memory_space<vmem>>
    %dma_start3A_43 = arith.constant 0 : i32
    %dma_start3A_44 = tpu.memref_slice %arg10[%dma_start3A_37, %dma_start3A_43] : memref<4x128xi32, #tpu.memory_space<vmem>> -> memref<1x128xi32, #tpu.memory_space<vmem>>
    %dma_start3A_45 = tpu.memref_squeeze %dma_start3A_44 : memref<1x128xi32, #tpu.memory_space<vmem>> -> memref<128xi32, #tpu.memory_space<vmem>>
    %dma_start3A_46 = arith.constant 0 : i32
    %dma_start3A_47 = arith.constant 0 : i32
    %dma_start3A_48 = tpu.memref_slice %arg5[%dma_start3A_46, %dma_start3A_47] : memref<1000000x64xf32, #tpu.memory_space<hbm>> -> memref<1000000x64xf32, #tpu.memory_space<hbm>>
    tpu.enqueue_indirect_dma source(%dma_start3A_48 : memref<1000000x64xf32, #tpu.memory_space<hbm>>) target(%dma_start3A_42 : memref<128x64xf32, #tpu.memory_space<vmem>>) offsets(%dma_start3A_45 : memref<128xi32, #tpu.memory_space<vmem>>) semaphore(%arg17 : memref<!tpu.dma_semaphore, #tpu.memory_space<semaphore_mem>>)
    %dma_start3A_49 = arith.constant 0 : i32
    %dma_start3A_50 = arith.constant 0 : i32
    %dma_start3A_51 = arith.constant 0 : i32
    %dma_start3A_52 = tpu.memref_slice %arg13[%dma_start3A_50, %dma_start3A_51] : memref<4x128xf32, #tpu.memory_space<vmem>> -> memref<1x128xf32, #tpu.memory_space<vmem>>
    %dma_start3A_53 = tpu.memref_squeeze %dma_start3A_52 : memref<1x128xf32, #tpu.memory_space<vmem>> -> memref<128xf32, #tpu.memory_space<vmem>>
    %dma_start3A_54 = arith.constant 0 : i32
    %dma_start3A_55 = tpu.memref_slice %arg9[%dma_start3A_49, %dma_start3A_54] : memref<4x128xi32, #tpu.memory_space<vmem>> -> memref<1x128xi32, #tpu.memory_space<vmem>>
    %dma_start3A_56 = tpu.memref_squeeze %dma_start3A_55 : memref<1x128xi32, #tpu.memory_space<vmem>> -> memref<128xi32, #tpu.memory_space<vmem>>
    %dma_start3A_57 = arith.constant 0 : i32
    %dma_start3A_58 = tpu.memref_slice %arg6[%dma_start3A_57] : memref<1000000xf32, #tpu.memory_space<hbm>> -> memref<1000000xf32, #tpu.memory_space<hbm>>
    tpu.enqueue_indirect_dma source(%dma_start3A_58 : memref<1000000xf32, #tpu.memory_space<hbm>>) target(%dma_start3A_53 : memref<128xf32, #tpu.memory_space<vmem>>) offsets(%dma_start3A_56 : memref<128xi32, #tpu.memory_space<vmem>>) semaphore(%arg17 : memref<!tpu.dma_semaphore, #tpu.memory_space<semaphore_mem>>)
    %dma_start3A_59 = arith.constant 0 : i32
    %dma_start3A_60 = arith.constant 0 : i32
    %dma_start3A_61 = arith.constant 0 : i32
    %dma_start3A_62 = tpu.memref_slice %arg14[%dma_start3A_60, %dma_start3A_61] : memref<4x128xf32, #tpu.memory_space<vmem>> -> memref<1x128xf32, #tpu.memory_space<vmem>>
    %dma_start3A_63 = tpu.memref_squeeze %dma_start3A_62 : memref<1x128xf32, #tpu.memory_space<vmem>> -> memref<128xf32, #tpu.memory_space<vmem>>
    %dma_start3A_64 = arith.constant 0 : i32
    %dma_start3A_65 = tpu.memref_slice %arg10[%dma_start3A_59, %dma_start3A_64] : memref<4x128xi32, #tpu.memory_space<vmem>> -> memref<1x128xi32, #tpu.memory_space<vmem>>
    %dma_start3A_66 = tpu.memref_squeeze %dma_start3A_65 : memref<1x128xi32, #tpu.memory_space<vmem>> -> memref<128xi32, #tpu.memory_space<vmem>>
    %dma_start3A_67 = arith.constant 0 : i32
    %dma_start3A_68 = tpu.memref_slice %arg7[%dma_start3A_67] : memref<1000000xf32, #tpu.memory_space<hbm>> -> memref<1000000xf32, #tpu.memory_space<hbm>>
    tpu.enqueue_indirect_dma source(%dma_start3A_68 : memref<1000000xf32, #tpu.memory_space<hbm>>) target(%dma_start3A_63 : memref<128xf32, #tpu.memory_space<vmem>>) offsets(%dma_start3A_66 : memref<128xi32, #tpu.memory_space<vmem>>) semaphore(%arg17 : memref<!tpu.dma_semaphore, #tpu.memory_space<semaphore_mem>>)
    %dma_start3A_69 = arith.constant 1 : i32
    %dma_start3A_70 = arith.constant 1 : i32
    %dma_start3A_71 = arith.constant 0 : i32
    %dma_start3A_72 = arith.constant 0 : i32
    %dma_start3A_73 = tpu.memref_slice %arg11[%dma_start3A_70, %dma_start3A_71, %dma_start3A_72] : memref<4x128x64xf32, #tpu.memory_space<vmem>> -> memref<1x128x64xf32, #tpu.memory_space<vmem>>
    %dma_start3A_74 = tpu.memref_squeeze %dma_start3A_73 : memref<1x128x64xf32, #tpu.memory_space<vmem>> -> memref<128x64xf32, #tpu.memory_space<vmem>>
    %dma_start3A_75 = arith.constant 0 : i32
    %dma_start3A_76 = tpu.memref_slice %arg9[%dma_start3A_69, %dma_start3A_75] : memref<4x128xi32, #tpu.memory_space<vmem>> -> memref<1x128xi32, #tpu.memory_space<vmem>>
    %dma_start3A_77 = tpu.memref_squeeze %dma_start3A_76 : memref<1x128xi32, #tpu.memory_space<vmem>> -> memref<128xi32, #tpu.memory_space<vmem>>
    %dma_start3A_78 = arith.constant 0 : i32
    %dma_start3A_79 = arith.constant 0 : i32
    %dma_start3A_80 = tpu.memref_slice %arg4[%dma_start3A_78, %dma_start3A_79] : memref<1000000x64xf32, #tpu.memory_space<hbm>> -> memref<1000000x64xf32, #tpu.memory_space<hbm>>
    tpu.enqueue_indirect_dma source(%dma_start3A_80 : memref<1000000x64xf32, #tpu.memory_space<hbm>>) target(%dma_start3A_74 : memref<128x64xf32, #tpu.memory_space<vmem>>) offsets(%dma_start3A_77 : memref<128xi32, #tpu.memory_space<vmem>>) semaphore(%arg17 : memref<!tpu.dma_semaphore, #tpu.memory_space<semaphore_mem>>)
    %dma_start3A_81 = arith.constant 1 : i32
    %dma_start3A_82 = arith.constant 1 : i32
    %dma_start3A_83 = arith.constant 0 : i32
    %dma_start3A_84 = arith.constant 0 : i32
    %dma_start3A_85 = tpu.memref_slice %arg12[%dma_start3A_82, %dma_start3A_83, %dma_start3A_84] : memref<4x128x64xf32, #tpu.memory_space<vmem>> -> memref<1x128x64xf32, #tpu.memory_space<vmem>>
    %dma_start3A_86 = tpu.memref_squeeze %dma_start3A_85 : memref<1x128x64xf32, #tpu.memory_space<vmem>> -> memref<128x64xf32, #tpu.memory_space<vmem>>
    %dma_start3A_87 = arith.constant 0 : i32
    %dma_start3A_88 = tpu.memref_slice %arg10[%dma_start3A_81, %dma_start3A_87] : memref<4x128xi32, #tpu.memory_space<vmem>> -> memref<1x128xi32, #tpu.memory_space<vmem>>
    %dma_start3A_89 = tpu.memref_squeeze %dma_start3A_88 : memref<1x128xi32, #tpu.memory_space<vmem>> -> memref<128xi32, #tpu.memory_space<vmem>>
    %dma_start3A_90 = arith.constant 0 : i32
    %dma_start3A_91 = arith.constant 0 : i32
    %dma_start3A_92 = tpu.memref_slice %arg5[%dma_start3A_90, %dma_start3A_91] : memref<1000000x64xf32, #tpu.memory_space<hbm>> -> memref<1000000x64xf32, #tpu.memory_space<hbm>>
    tpu.enqueue_indirect_dma source(%dma_start3A_92 : memref<1000000x64xf32, #tpu.memory_space<hbm>>) target(%dma_start3A_86 : memref<128x64xf32, #tpu.memory_space<vmem>>) offsets(%dma_start3A_89 : memref<128xi32, #tpu.memory_space<vmem>>) semaphore(%arg17 : memref<!tpu.dma_semaphore, #tpu.memory_space<semaphore_mem>>)
    %dma_start3A_93 = arith.constant 1 : i32
    %dma_start3A_94 = arith.constant 1 : i32
    %dma_start3A_95 = arith.constant 0 : i32
    %dma_start3A_96 = tpu.memref_slice %arg13[%dma_start3A_94, %dma_start3A_95] : memref<4x128xf32, #tpu.memory_space<vmem>> -> memref<1x128xf32, #tpu.memory_space<vmem>>
    %dma_start3A_97 = tpu.memref_squeeze %dma_start3A_96 : memref<1x128xf32, #tpu.memory_space<vmem>> -> memref<128xf32, #tpu.memory_space<vmem>>
    %dma_start3A_98 = arith.constant 0 : i32
    %dma_start3A_99 = tpu.memref_slice %arg9[%dma_start3A_93, %dma_start3A_98] : memref<4x128xi32, #tpu.memory_space<vmem>> -> memref<1x128xi32, #tpu.memory_space<vmem>>
    %dma_start3A_100 = tpu.memref_squeeze %dma_start3A_99 : memref<1x128xi32, #tpu.memory_space<vmem>> -> memref<128xi32, #tpu.memory_space<vmem>>
    %dma_start3A_101 = arith.constant 0 : i32
    %dma_start3A_102 = tpu.memref_slice %arg6[%dma_start3A_101] : memref<1000000xf32, #tpu.memory_space<hbm>> -> memref<1000000xf32, #tpu.memory_space<hbm>>
    tpu.enqueue_indirect_dma source(%dma_start3A_102 : memref<1000000xf32, #tpu.memory_space<hbm>>) target(%dma_start3A_97 : memref<128xf32, #tpu.memory_space<vmem>>) offsets(%dma_start3A_100 : memref<128xi32, #tpu.memory_space<vmem>>) semaphore(%arg17 : memref<!tpu.dma_semaphore, #tpu.memory_space<semaphore_mem>>)
    %dma_start3A_103 = arith.constant 1 : i32
    %dma_start3A_104 = arith.constant 1 : i32
    %dma_start3A_105 = arith.constant 0 : i32
    %dma_start3A_106 = tpu.memref_slice %arg14[%dma_start3A_104, %dma_start3A_105] : memref<4x128xf32, #tpu.memory_space<vmem>> -> memref<1x128xf32, #tpu.memory_space<vmem>>
    %dma_start3A_107 = tpu.memref_squeeze %dma_start3A_106 : memref<1x128xf32, #tpu.memory_space<vmem>> -> memref<128xf32, #tpu.memory_space<vmem>>
    %dma_start3A_108 = arith.constant 0 : i32
    %dma_start3A_109 = tpu.memref_slice %arg10[%dma_start3A_103, %dma_start3A_108] : memref<4x128xi32, #tpu.memory_space<vmem>> -> memref<1x128xi32, #tpu.memory_space<vmem>>
    %dma_start3A_110 = tpu.memref_squeeze %dma_start3A_109 : memref<1x128xi32, #tpu.memory_space<vmem>> -> memref<128xi32, #tpu.memory_space<vmem>>
    %dma_start3A_111 = arith.constant 0 : i32
    %dma_start3A_112 = tpu.memref_slice %arg7[%dma_start3A_111] : memref<1000000xf32, #tpu.memory_space<hbm>> -> memref<1000000xf32, #tpu.memory_space<hbm>>
    tpu.enqueue_indirect_dma source(%dma_start3A_112 : memref<1000000xf32, #tpu.memory_space<hbm>>) target(%dma_start3A_107 : memref<128xf32, #tpu.memory_space<vmem>>) offsets(%dma_start3A_110 : memref<128xi32, #tpu.memory_space<vmem>>) semaphore(%arg17 : memref<!tpu.dma_semaphore, #tpu.memory_space<semaphore_mem>>)
    %dma_start3A_113 = arith.constant 2 : i32
    %dma_start3A_114 = arith.constant 2 : i32
    %dma_start3A_115 = arith.constant 0 : i32
    %dma_start3A_116 = arith.constant 0 : i32
    %dma_start3A_117 = tpu.memref_slice %arg11[%dma_start3A_114, %dma_start3A_115, %dma_start3A_116] : memref<4x128x64xf32, #tpu.memory_space<vmem>> -> memref<1x128x64xf32, #tpu.memory_space<vmem>>
    %dma_start3A_118 = tpu.memref_squeeze %dma_start3A_117 : memref<1x128x64xf32, #tpu.memory_space<vmem>> -> memref<128x64xf32, #tpu.memory_space<vmem>>
    %dma_start3A_119 = arith.constant 0 : i32
    %dma_start3A_120 = tpu.memref_slice %arg9[%dma_start3A_113, %dma_start3A_119] : memref<4x128xi32, #tpu.memory_space<vmem>> -> memref<1x128xi32, #tpu.memory_space<vmem>>
    %dma_start3A_121 = tpu.memref_squeeze %dma_start3A_120 : memref<1x128xi32, #tpu.memory_space<vmem>> -> memref<128xi32, #tpu.memory_space<vmem>>
    %dma_start3A_122 = arith.constant 0 : i32
    %dma_start3A_123 = arith.constant 0 : i32
    %dma_start3A_124 = tpu.memref_slice %arg4[%dma_start3A_122, %dma_start3A_123] : memref<1000000x64xf32, #tpu.memory_space<hbm>> -> memref<1000000x64xf32, #tpu.memory_space<hbm>>
    tpu.enqueue_indirect_dma source(%dma_start3A_124 : memref<1000000x64xf32, #tpu.memory_space<hbm>>) target(%dma_start3A_118 : memref<128x64xf32, #tpu.memory_space<vmem>>) offsets(%dma_start3A_121 : memref<128xi32, #tpu.memory_space<vmem>>) semaphore(%arg17 : memref<!tpu.dma_semaphore, #tpu.memory_space<semaphore_mem>>)
    %dma_start3A_125 = arith.constant 2 : i32
    %dma_start3A_126 = arith.constant 2 : i32
    %dma_start3A_127 = arith.constant 0 : i32
    %dma_start3A_128 = arith.constant 0 : i32
    %dma_start3A_129 = tpu.memref_slice %arg12[%dma_start3A_126, %dma_start3A_127, %dma_start3A_128] : memref<4x128x64xf32, #tpu.memory_space<vmem>> -> memref<1x128x64xf32, #tpu.memory_space<vmem>>
    %dma_start3A_130 = tpu.memref_squeeze %dma_start3A_129 : memref<1x128x64xf32, #tpu.memory_space<vmem>> -> memref<128x64xf32, #tpu.memory_space<vmem>>
    %dma_start3A_131 = arith.constant 0 : i32
    %dma_start3A_132 = tpu.memref_slice %arg10[%dma_start3A_125, %dma_start3A_131] : memref<4x128xi32, #tpu.memory_space<vmem>> -> memref<1x128xi32, #tpu.memory_space<vmem>>
    %dma_start3A_133 = tpu.memref_squeeze %dma_start3A_132 : memref<1x128xi32, #tpu.memory_space<vmem>> -> memref<128xi32, #tpu.memory_space<vmem>>
    %dma_start3A_134 = arith.constant 0 : i32
    %dma_start3A_135 = arith.constant 0 : i32
    %dma_start3A_136 = tpu.memref_slice %arg5[%dma_start3A_134, %dma_start3A_135] : memref<1000000x64xf32, #tpu.memory_space<hbm>> -> memref<1000000x64xf32, #tpu.memory_space<hbm>>
    tpu.enqueue_indirect_dma source(%dma_start3A_136 : memref<1000000x64xf32, #tpu.memory_space<hbm>>) target(%dma_start3A_130 : memref<128x64xf32, #tpu.memory_space<vmem>>) offsets(%dma_start3A_133 : memref<128xi32, #tpu.memory_space<vmem>>) semaphore(%arg17 : memref<!tpu.dma_semaphore, #tpu.memory_space<semaphore_mem>>)
    %dma_start3A_137 = arith.constant 2 : i32
    %dma_start3A_138 = arith.constant 2 : i32
    %dma_start3A_139 = arith.constant 0 : i32
    %dma_start3A_140 = tpu.memref_slice %arg13[%dma_start3A_138, %dma_start3A_139] : memref<4x128xf32, #tpu.memory_space<vmem>> -> memref<1x128xf32, #tpu.memory_space<vmem>>
    %dma_start3A_141 = tpu.memref_squeeze %dma_start3A_140 : memref<1x128xf32, #tpu.memory_space<vmem>> -> memref<128xf32, #tpu.memory_space<vmem>>
    %dma_start3A_142 = arith.constant 0 : i32
    %dma_start3A_143 = tpu.memref_slice %arg9[%dma_start3A_137, %dma_start3A_142] : memref<4x128xi32, #tpu.memory_space<vmem>> -> memref<1x128xi32, #tpu.memory_space<vmem>>
    %dma_start3A_144 = tpu.memref_squeeze %dma_start3A_143 : memref<1x128xi32, #tpu.memory_space<vmem>> -> memref<128xi32, #tpu.memory_space<vmem>>
    %dma_start3A_145 = arith.constant 0 : i32
    %dma_start3A_146 = tpu.memref_slice %arg6[%dma_start3A_145] : memref<1000000xf32, #tpu.memory_space<hbm>> -> memref<1000000xf32, #tpu.memory_space<hbm>>
    tpu.enqueue_indirect_dma source(%dma_start3A_146 : memref<1000000xf32, #tpu.memory_space<hbm>>) target(%dma_start3A_141 : memref<128xf32, #tpu.memory_space<vmem>>) offsets(%dma_start3A_144 : memref<128xi32, #tpu.memory_space<vmem>>) semaphore(%arg17 : memref<!tpu.dma_semaphore, #tpu.memory_space<semaphore_mem>>)
    %dma_start3A_147 = arith.constant 2 : i32
    %dma_start3A_148 = arith.constant 2 : i32
    %dma_start3A_149 = arith.constant 0 : i32
    %dma_start3A_150 = tpu.memref_slice %arg14[%dma_start3A_148, %dma_start3A_149] : memref<4x128xf32, #tpu.memory_space<vmem>> -> memref<1x128xf32, #tpu.memory_space<vmem>>
    %dma_start3A_151 = tpu.memref_squeeze %dma_start3A_150 : memref<1x128xf32, #tpu.memory_space<vmem>> -> memref<128xf32, #tpu.memory_space<vmem>>
    %dma_start3A_152 = arith.constant 0 : i32
    %dma_start3A_153 = tpu.memref_slice %arg10[%dma_start3A_147, %dma_start3A_152] : memref<4x128xi32, #tpu.memory_space<vmem>> -> memref<1x128xi32, #tpu.memory_space<vmem>>
    %dma_start3A_154 = tpu.memref_squeeze %dma_start3A_153 : memref<1x128xi32, #tpu.memory_space<vmem>> -> memref<128xi32, #tpu.memory_space<vmem>>
    %dma_start3A_155 = arith.constant 0 : i32
    %dma_start3A_156 = tpu.memref_slice %arg7[%dma_start3A_155] : memref<1000000xf32, #tpu.memory_space<hbm>> -> memref<1000000xf32, #tpu.memory_space<hbm>>
    tpu.enqueue_indirect_dma source(%dma_start3A_156 : memref<1000000xf32, #tpu.memory_space<hbm>>) target(%dma_start3A_151 : memref<128xf32, #tpu.memory_space<vmem>>) offsets(%dma_start3A_154 : memref<128xi32, #tpu.memory_space<vmem>>) semaphore(%arg17 : memref<!tpu.dma_semaphore, #tpu.memory_space<semaphore_mem>>)
    %dma_start3A_157 = arith.constant 3 : i32
    %dma_start3A_158 = arith.constant 3 : i32
    %dma_start3A_159 = arith.constant 0 : i32
    %dma_start3A_160 = arith.constant 0 : i32
    %dma_start3A_161 = tpu.memref_slice %arg11[%dma_start3A_158, %dma_start3A_159, %dma_start3A_160] : memref<4x128x64xf32, #tpu.memory_space<vmem>> -> memref<1x128x64xf32, #tpu.memory_space<vmem>>
    %dma_start3A_162 = tpu.memref_squeeze %dma_start3A_161 : memref<1x128x64xf32, #tpu.memory_space<vmem>> -> memref<128x64xf32, #tpu.memory_space<vmem>>
    %dma_start3A_163 = arith.constant 0 : i32
    %dma_start3A_164 = tpu.memref_slice %arg9[%dma_start3A_157, %dma_start3A_163] : memref<4x128xi32, #tpu.memory_space<vmem>> -> memref<1x128xi32, #tpu.memory_space<vmem>>
    %dma_start3A_165 = tpu.memref_squeeze %dma_start3A_164 : memref<1x128xi32, #tpu.memory_space<vmem>> -> memref<128xi32, #tpu.memory_space<vmem>>
    %dma_start3A_166 = arith.constant 0 : i32
    %dma_start3A_167 = arith.constant 0 : i32
    %dma_start3A_168 = tpu.memref_slice %arg4[%dma_start3A_166, %dma_start3A_167] : memref<1000000x64xf32, #tpu.memory_space<hbm>> -> memref<1000000x64xf32, #tpu.memory_space<hbm>>
    tpu.enqueue_indirect_dma source(%dma_start3A_168 : memref<1000000x64xf32, #tpu.memory_space<hbm>>) target(%dma_start3A_162 : memref<128x64xf32, #tpu.memory_space<vmem>>) offsets(%dma_start3A_165 : memref<128xi32, #tpu.memory_space<vmem>>) semaphore(%arg17 : memref<!tpu.dma_semaphore, #tpu.memory_space<semaphore_mem>>)
    %dma_start3A_169 = arith.constant 3 : i32
    %dma_start3A_170 = arith.constant 3 : i32
    %dma_start3A_171 = arith.constant 0 : i32
    %dma_start3A_172 = arith.constant 0 : i32
    %dma_start3A_173 = tpu.memref_slice %arg12[%dma_start3A_170, %dma_start3A_171, %dma_start3A_172] : memref<4x128x64xf32, #tpu.memory_space<vmem>> -> memref<1x128x64xf32, #tpu.memory_space<vmem>>
    %dma_start3A_174 = tpu.memref_squeeze %dma_start3A_173 : memref<1x128x64xf32, #tpu.memory_space<vmem>> -> memref<128x64xf32, #tpu.memory_space<vmem>>
    %dma_start3A_175 = arith.constant 0 : i32
    %dma_start3A_176 = tpu.memref_slice %arg10[%dma_start3A_169, %dma_start3A_175] : memref<4x128xi32, #tpu.memory_space<vmem>> -> memref<1x128xi32, #tpu.memory_space<vmem>>
    %dma_start3A_177 = tpu.memref_squeeze %dma_start3A_176 : memref<1x128xi32, #tpu.memory_space<vmem>> -> memref<128xi32, #tpu.memory_space<vmem>>
    %dma_start3A_178 = arith.constant 0 : i32
    %dma_start3A_179 = arith.constant 0 : i32
    %dma_start3A_180 = tpu.memref_slice %arg5[%dma_start3A_178, %dma_start3A_179] : memref<1000000x64xf32, #tpu.memory_space<hbm>> -> memref<1000000x64xf32, #tpu.memory_space<hbm>>
    tpu.enqueue_indirect_dma source(%dma_start3A_180 : memref<1000000x64xf32, #tpu.memory_space<hbm>>) target(%dma_start3A_174 : memref<128x64xf32, #tpu.memory_space<vmem>>) offsets(%dma_start3A_177 : memref<128xi32, #tpu.memory_space<vmem>>) semaphore(%arg17 : memref<!tpu.dma_semaphore, #tpu.memory_space<semaphore_mem>>)
    %dma_start3A_181 = arith.constant 3 : i32
    %dma_start3A_182 = arith.constant 3 : i32
    %dma_start3A_183 = arith.constant 0 : i32
    %dma_start3A_184 = tpu.memref_slice %arg13[%dma_start3A_182, %dma_start3A_183] : memref<4x128xf32, #tpu.memory_space<vmem>> -> memref<1x128xf32, #tpu.memory_space<vmem>>
    %dma_start3A_185 = tpu.memref_squeeze %dma_start3A_184 : memref<1x128xf32, #tpu.memory_space<vmem>> -> memref<128xf32, #tpu.memory_space<vmem>>
    %dma_start3A_186 = arith.constant 0 : i32
    %dma_start3A_187 = tpu.memref_slice %arg9[%dma_start3A_181, %dma_start3A_186] : memref<4x128xi32, #tpu.memory_space<vmem>> -> memref<1x128xi32, #tpu.memory_space<vmem>>
    %dma_start3A_188 = tpu.memref_squeeze %dma_start3A_187 : memref<1x128xi32, #tpu.memory_space<vmem>> -> memref<128xi32, #tpu.memory_space<vmem>>
    %dma_start3A_189 = arith.constant 0 : i32
    %dma_start3A_190 = tpu.memref_slice %arg6[%dma_start3A_189] : memref<1000000xf32, #tpu.memory_space<hbm>> -> memref<1000000xf32, #tpu.memory_space<hbm>>
    tpu.enqueue_indirect_dma source(%dma_start3A_190 : memref<1000000xf32, #tpu.memory_space<hbm>>) target(%dma_start3A_185 : memref<128xf32, #tpu.memory_space<vmem>>) offsets(%dma_start3A_188 : memref<128xi32, #tpu.memory_space<vmem>>) semaphore(%arg17 : memref<!tpu.dma_semaphore, #tpu.memory_space<semaphore_mem>>)
    %dma_start3A_191 = arith.constant 3 : i32
    %dma_start3A_192 = arith.constant 3 : i32
    %dma_start3A_193 = arith.constant 0 : i32
    %dma_start3A_194 = tpu.memref_slice %arg14[%dma_start3A_192, %dma_start3A_193] : memref<4x128xf32, #tpu.memory_space<vmem>> -> memref<1x128xf32, #tpu.memory_space<vmem>>
    %dma_start3A_195 = tpu.memref_squeeze %dma_start3A_194 : memref<1x128xf32, #tpu.memory_space<vmem>> -> memref<128xf32, #tpu.memory_space<vmem>>
    %dma_start3A_196 = arith.constant 0 : i32
    %dma_start3A_197 = tpu.memref_slice %arg10[%dma_start3A_191, %dma_start3A_196] : memref<4x128xi32, #tpu.memory_space<vmem>> -> memref<1x128xi32, #tpu.memory_space<vmem>>
    %dma_start3A_198 = tpu.memref_squeeze %dma_start3A_197 : memref<1x128xi32, #tpu.memory_space<vmem>> -> memref<128xi32, #tpu.memory_space<vmem>>
    %dma_start3A_199 = arith.constant 0 : i32
    %dma_start3A_200 = tpu.memref_slice %arg7[%dma_start3A_199] : memref<1000000xf32, #tpu.memory_space<hbm>> -> memref<1000000xf32, #tpu.memory_space<hbm>>
    tpu.enqueue_indirect_dma source(%dma_start3A_200 : memref<1000000xf32, #tpu.memory_space<hbm>>) target(%dma_start3A_195 : memref<128xf32, #tpu.memory_space<vmem>>) offsets(%dma_start3A_198 : memref<128xi32, #tpu.memory_space<vmem>>) semaphore(%arg17 : memref<!tpu.dma_semaphore, #tpu.memory_space<semaphore_mem>>)
    %dma_wait3A = arith.constant 0 : i32
    %dma_wait3A_201 = arith.constant 0 : i32
    %dma_wait3A_202 = arith.constant 0 : i32
    %dma_wait3A_203 = arith.constant 0 : i32
    %dma_wait3A_204 = tpu.memref_slice %arg11[%dma_wait3A_201, %dma_wait3A_202, %dma_wait3A_203] : memref<4x128x64xf32, #tpu.memory_space<vmem>> -> memref<1x128x64xf32, #tpu.memory_space<vmem>>
    %dma_wait3A_205 = tpu.memref_squeeze %dma_wait3A_204 : memref<1x128x64xf32, #tpu.memory_space<vmem>> -> memref<128x64xf32, #tpu.memory_space<vmem>>
    %dma_wait3A_206 = arith.constant 0 : i32
    %dma_wait3A_207 = tpu.memref_slice %arg9[%dma_wait3A, %dma_wait3A_206] : memref<4x128xi32, #tpu.memory_space<vmem>> -> memref<1x128xi32, #tpu.memory_space<vmem>>
    %dma_wait3A_208 = tpu.memref_squeeze %dma_wait3A_207 : memref<1x128xi32, #tpu.memory_space<vmem>> -> memref<128xi32, #tpu.memory_space<vmem>>
    %dma_wait3A_209 = arith.constant 0 : i32
    %dma_wait3A_210 = arith.constant 0 : i32
    %dma_wait3A_211 = tpu.memref_slice %arg4[%dma_wait3A_209, %dma_wait3A_210] : memref<1000000x64xf32, #tpu.memory_space<hbm>> -> memref<1000000x64xf32, #tpu.memory_space<hbm>>
    tpu.wait_indirect_dma semaphore(%arg17 : memref<!tpu.dma_semaphore, #tpu.memory_space<semaphore_mem>>) src(%dma_wait3A_211 : memref<1000000x64xf32, #tpu.memory_space<hbm>>) dst(%dma_wait3A_205 : memref<128x64xf32, #tpu.memory_space<vmem>>)
    %dma_wait3A_212 = arith.constant 0 : i32
    %dma_wait3A_213 = arith.constant 0 : i32
    %dma_wait3A_214 = arith.constant 0 : i32
    %dma_wait3A_215 = arith.constant 0 : i32
    %dma_wait3A_216 = tpu.memref_slice %arg12[%dma_wait3A_213, %dma_wait3A_214, %dma_wait3A_215] : memref<4x128x64xf32, #tpu.memory_space<vmem>> -> memref<1x128x64xf32, #tpu.memory_space<vmem>>
    %dma_wait3A_217 = tpu.memref_squeeze %dma_wait3A_216 : memref<1x128x64xf32, #tpu.memory_space<vmem>> -> memref<128x64xf32, #tpu.memory_space<vmem>>
    %dma_wait3A_218 = arith.constant 0 : i32
    %dma_wait3A_219 = tpu.memref_slice %arg10[%dma_wait3A_212, %dma_wait3A_218] : memref<4x128xi32, #tpu.memory_space<vmem>> -> memref<1x128xi32, #tpu.memory_space<vmem>>
    %dma_wait3A_220 = tpu.memref_squeeze %dma_wait3A_219 : memref<1x128xi32, #tpu.memory_space<vmem>> -> memref<128xi32, #tpu.memory_space<vmem>>
    %dma_wait3A_221 = arith.constant 0 : i32
    %dma_wait3A_222 = arith.constant 0 : i32
    %dma_wait3A_223 = tpu.memref_slice %arg5[%dma_wait3A_221, %dma_wait3A_222] : memref<1000000x64xf32, #tpu.memory_space<hbm>> -> memref<1000000x64xf32, #tpu.memory_space<hbm>>
    tpu.wait_indirect_dma semaphore(%arg17 : memref<!tpu.dma_semaphore, #tpu.memory_space<semaphore_mem>>) src(%dma_wait3A_223 : memref<1000000x64xf32, #tpu.memory_space<hbm>>) dst(%dma_wait3A_217 : memref<128x64xf32, #tpu.memory_space<vmem>>)
    %dma_wait3A_224 = arith.constant 0 : i32
    %dma_wait3A_225 = arith.constant 0 : i32
    %dma_wait3A_226 = arith.constant 0 : i32
    %dma_wait3A_227 = tpu.memref_slice %arg13[%dma_wait3A_225, %dma_wait3A_226] : memref<4x128xf32, #tpu.memory_space<vmem>> -> memref<1x128xf32, #tpu.memory_space<vmem>>
    %dma_wait3A_228 = tpu.memref_squeeze %dma_wait3A_227 : memref<1x128xf32, #tpu.memory_space<vmem>> -> memref<128xf32, #tpu.memory_space<vmem>>
    %dma_wait3A_229 = arith.constant 0 : i32
    %dma_wait3A_230 = tpu.memref_slice %arg9[%dma_wait3A_224, %dma_wait3A_229] : memref<4x128xi32, #tpu.memory_space<vmem>> -> memref<1x128xi32, #tpu.memory_space<vmem>>
    %dma_wait3A_231 = tpu.memref_squeeze %dma_wait3A_230 : memref<1x128xi32, #tpu.memory_space<vmem>> -> memref<128xi32, #tpu.memory_space<vmem>>
    %dma_wait3A_232 = arith.constant 0 : i32
    %dma_wait3A_233 = tpu.memref_slice %arg6[%dma_wait3A_232] : memref<1000000xf32, #tpu.memory_space<hbm>> -> memref<1000000xf32, #tpu.memory_space<hbm>>
    tpu.wait_indirect_dma semaphore(%arg17 : memref<!tpu.dma_semaphore, #tpu.memory_space<semaphore_mem>>) src(%dma_wait3A_233 : memref<1000000xf32, #tpu.memory_space<hbm>>) dst(%dma_wait3A_228 : memref<128xf32, #tpu.memory_space<vmem>>)
    %dma_wait3A_234 = arith.constant 0 : i32
    %dma_wait3A_235 = arith.constant 0 : i32
    %dma_wait3A_236 = arith.constant 0 : i32
    %dma_wait3A_237 = tpu.memref_slice %arg14[%dma_wait3A_235, %dma_wait3A_236] : memref<4x128xf32, #tpu.memory_space<vmem>> -> memref<1x128xf32, #tpu.memory_space<vmem>>
    %dma_wait3A_238 = tpu.memref_squeeze %dma_wait3A_237 : memref<1x128xf32, #tpu.memory_space<vmem>> -> memref<128xf32, #tpu.memory_space<vmem>>
    %dma_wait3A_239 = arith.constant 0 : i32
    %dma_wait3A_240 = tpu.memref_slice %arg10[%dma_wait3A_234, %dma_wait3A_239] : memref<4x128xi32, #tpu.memory_space<vmem>> -> memref<1x128xi32, #tpu.memory_space<vmem>>
    %dma_wait3A_241 = tpu.memref_squeeze %dma_wait3A_240 : memref<1x128xi32, #tpu.memory_space<vmem>> -> memref<128xi32, #tpu.memory_space<vmem>>
    %dma_wait3A_242 = arith.constant 0 : i32
    %dma_wait3A_243 = tpu.memref_slice %arg7[%dma_wait3A_242] : memref<1000000xf32, #tpu.memory_space<hbm>> -> memref<1000000xf32, #tpu.memory_space<hbm>>
    tpu.wait_indirect_dma semaphore(%arg17 : memref<!tpu.dma_semaphore, #tpu.memory_space<semaphore_mem>>) src(%dma_wait3A_243 : memref<1000000xf32, #tpu.memory_space<hbm>>) dst(%dma_wait3A_238 : memref<128xf32, #tpu.memory_space<vmem>>)
    %dma_wait3A_244 = arith.constant 1 : i32
    %dma_wait3A_245 = arith.constant 1 : i32
    %dma_wait3A_246 = arith.constant 0 : i32
    %dma_wait3A_247 = arith.constant 0 : i32
    %dma_wait3A_248 = tpu.memref_slice %arg11[%dma_wait3A_245, %dma_wait3A_246, %dma_wait3A_247] : memref<4x128x64xf32, #tpu.memory_space<vmem>> -> memref<1x128x64xf32, #tpu.memory_space<vmem>>
    %dma_wait3A_249 = tpu.memref_squeeze %dma_wait3A_248 : memref<1x128x64xf32, #tpu.memory_space<vmem>> -> memref<128x64xf32, #tpu.memory_space<vmem>>
    %dma_wait3A_250 = arith.constant 0 : i32
    %dma_wait3A_251 = tpu.memref_slice %arg9[%dma_wait3A_244, %dma_wait3A_250] : memref<4x128xi32, #tpu.memory_space<vmem>> -> memref<1x128xi32, #tpu.memory_space<vmem>>
    %dma_wait3A_252 = tpu.memref_squeeze %dma_wait3A_251 : memref<1x128xi32, #tpu.memory_space<vmem>> -> memref<128xi32, #tpu.memory_space<vmem>>
    %dma_wait3A_253 = arith.constant 0 : i32
    %dma_wait3A_254 = arith.constant 0 : i32
    %dma_wait3A_255 = tpu.memref_slice %arg4[%dma_wait3A_253, %dma_wait3A_254] : memref<1000000x64xf32, #tpu.memory_space<hbm>> -> memref<1000000x64xf32, #tpu.memory_space<hbm>>
    tpu.wait_indirect_dma semaphore(%arg17 : memref<!tpu.dma_semaphore, #tpu.memory_space<semaphore_mem>>) src(%dma_wait3A_255 : memref<1000000x64xf32, #tpu.memory_space<hbm>>) dst(%dma_wait3A_249 : memref<128x64xf32, #tpu.memory_space<vmem>>)
    %dma_wait3A_256 = arith.constant 1 : i32
    %dma_wait3A_257 = arith.constant 1 : i32
    %dma_wait3A_258 = arith.constant 0 : i32
    %dma_wait3A_259 = arith.constant 0 : i32
    %dma_wait3A_260 = tpu.memref_slice %arg12[%dma_wait3A_257, %dma_wait3A_258, %dma_wait3A_259] : memref<4x128x64xf32, #tpu.memory_space<vmem>> -> memref<1x128x64xf32, #tpu.memory_space<vmem>>
    %dma_wait3A_261 = tpu.memref_squeeze %dma_wait3A_260 : memref<1x128x64xf32, #tpu.memory_space<vmem>> -> memref<128x64xf32, #tpu.memory_space<vmem>>
    %dma_wait3A_262 = arith.constant 0 : i32
    %dma_wait3A_263 = tpu.memref_slice %arg10[%dma_wait3A_256, %dma_wait3A_262] : memref<4x128xi32, #tpu.memory_space<vmem>> -> memref<1x128xi32, #tpu.memory_space<vmem>>
    %dma_wait3A_264 = tpu.memref_squeeze %dma_wait3A_263 : memref<1x128xi32, #tpu.memory_space<vmem>> -> memref<128xi32, #tpu.memory_space<vmem>>
    %dma_wait3A_265 = arith.constant 0 : i32
    %dma_wait3A_266 = arith.constant 0 : i32
    %dma_wait3A_267 = tpu.memref_slice %arg5[%dma_wait3A_265, %dma_wait3A_266] : memref<1000000x64xf32, #tpu.memory_space<hbm>> -> memref<1000000x64xf32, #tpu.memory_space<hbm>>
    tpu.wait_indirect_dma semaphore(%arg17 : memref<!tpu.dma_semaphore, #tpu.memory_space<semaphore_mem>>) src(%dma_wait3A_267 : memref<1000000x64xf32, #tpu.memory_space<hbm>>) dst(%dma_wait3A_261 : memref<128x64xf32, #tpu.memory_space<vmem>>)
    %dma_wait3A_268 = arith.constant 1 : i32
    %dma_wait3A_269 = arith.constant 1 : i32
    %dma_wait3A_270 = arith.constant 0 : i32
    %dma_wait3A_271 = tpu.memref_slice %arg13[%dma_wait3A_269, %dma_wait3A_270] : memref<4x128xf32, #tpu.memory_space<vmem>> -> memref<1x128xf32, #tpu.memory_space<vmem>>
    %dma_wait3A_272 = tpu.memref_squeeze %dma_wait3A_271 : memref<1x128xf32, #tpu.memory_space<vmem>> -> memref<128xf32, #tpu.memory_space<vmem>>
    %dma_wait3A_273 = arith.constant 0 : i32
    %dma_wait3A_274 = tpu.memref_slice %arg9[%dma_wait3A_268, %dma_wait3A_273] : memref<4x128xi32, #tpu.memory_space<vmem>> -> memref<1x128xi32, #tpu.memory_space<vmem>>
    %dma_wait3A_275 = tpu.memref_squeeze %dma_wait3A_274 : memref<1x128xi32, #tpu.memory_space<vmem>> -> memref<128xi32, #tpu.memory_space<vmem>>
    %dma_wait3A_276 = arith.constant 0 : i32
    %dma_wait3A_277 = tpu.memref_slice %arg6[%dma_wait3A_276] : memref<1000000xf32, #tpu.memory_space<hbm>> -> memref<1000000xf32, #tpu.memory_space<hbm>>
    tpu.wait_indirect_dma semaphore(%arg17 : memref<!tpu.dma_semaphore, #tpu.memory_space<semaphore_mem>>) src(%dma_wait3A_277 : memref<1000000xf32, #tpu.memory_space<hbm>>) dst(%dma_wait3A_272 : memref<128xf32, #tpu.memory_space<vmem>>)
    %dma_wait3A_278 = arith.constant 1 : i32
    %dma_wait3A_279 = arith.constant 1 : i32
    %dma_wait3A_280 = arith.constant 0 : i32
    %dma_wait3A_281 = tpu.memref_slice %arg14[%dma_wait3A_279, %dma_wait3A_280] : memref<4x128xf32, #tpu.memory_space<vmem>> -> memref<1x128xf32, #tpu.memory_space<vmem>>
    %dma_wait3A_282 = tpu.memref_squeeze %dma_wait3A_281 : memref<1x128xf32, #tpu.memory_space<vmem>> -> memref<128xf32, #tpu.memory_space<vmem>>
    %dma_wait3A_283 = arith.constant 0 : i32
    %dma_wait3A_284 = tpu.memref_slice %arg10[%dma_wait3A_278, %dma_wait3A_283] : memref<4x128xi32, #tpu.memory_space<vmem>> -> memref<1x128xi32, #tpu.memory_space<vmem>>
    %dma_wait3A_285 = tpu.memref_squeeze %dma_wait3A_284 : memref<1x128xi32, #tpu.memory_space<vmem>> -> memref<128xi32, #tpu.memory_space<vmem>>
    %dma_wait3A_286 = arith.constant 0 : i32
    %dma_wait3A_287 = tpu.memref_slice %arg7[%dma_wait3A_286] : memref<1000000xf32, #tpu.memory_space<hbm>> -> memref<1000000xf32, #tpu.memory_space<hbm>>
    tpu.wait_indirect_dma semaphore(%arg17 : memref<!tpu.dma_semaphore, #tpu.memory_space<semaphore_mem>>) src(%dma_wait3A_287 : memref<1000000xf32, #tpu.memory_space<hbm>>) dst(%dma_wait3A_282 : memref<128xf32, #tpu.memory_space<vmem>>)
    %dma_wait3A_288 = arith.constant 2 : i32
    %dma_wait3A_289 = arith.constant 2 : i32
    %dma_wait3A_290 = arith.constant 0 : i32
    %dma_wait3A_291 = arith.constant 0 : i32
    %dma_wait3A_292 = tpu.memref_slice %arg11[%dma_wait3A_289, %dma_wait3A_290, %dma_wait3A_291] : memref<4x128x64xf32, #tpu.memory_space<vmem>> -> memref<1x128x64xf32, #tpu.memory_space<vmem>>
    %dma_wait3A_293 = tpu.memref_squeeze %dma_wait3A_292 : memref<1x128x64xf32, #tpu.memory_space<vmem>> -> memref<128x64xf32, #tpu.memory_space<vmem>>
    %dma_wait3A_294 = arith.constant 0 : i32
    %dma_wait3A_295 = tpu.memref_slice %arg9[%dma_wait3A_288, %dma_wait3A_294] : memref<4x128xi32, #tpu.memory_space<vmem>> -> memref<1x128xi32, #tpu.memory_space<vmem>>
    %dma_wait3A_296 = tpu.memref_squeeze %dma_wait3A_295 : memref<1x128xi32, #tpu.memory_space<vmem>> -> memref<128xi32, #tpu.memory_space<vmem>>
    %dma_wait3A_297 = arith.constant 0 : i32
    %dma_wait3A_298 = arith.constant 0 : i32
    %dma_wait3A_299 = tpu.memref_slice %arg4[%dma_wait3A_297, %dma_wait3A_298] : memref<1000000x64xf32, #tpu.memory_space<hbm>> -> memref<1000000x64xf32, #tpu.memory_space<hbm>>
    tpu.wait_indirect_dma semaphore(%arg17 : memref<!tpu.dma_semaphore, #tpu.memory_space<semaphore_mem>>) src(%dma_wait3A_299 : memref<1000000x64xf32, #tpu.memory_space<hbm>>) dst(%dma_wait3A_293 : memref<128x64xf32, #tpu.memory_space<vmem>>)
    %dma_wait3A_300 = arith.constant 2 : i32
    %dma_wait3A_301 = arith.constant 2 : i32
    %dma_wait3A_302 = arith.constant 0 : i32
    %dma_wait3A_303 = arith.constant 0 : i32
    %dma_wait3A_304 = tpu.memref_slice %arg12[%dma_wait3A_301, %dma_wait3A_302, %dma_wait3A_303] : memref<4x128x64xf32, #tpu.memory_space<vmem>> -> memref<1x128x64xf32, #tpu.memory_space<vmem>>
    %dma_wait3A_305 = tpu.memref_squeeze %dma_wait3A_304 : memref<1x128x64xf32, #tpu.memory_space<vmem>> -> memref<128x64xf32, #tpu.memory_space<vmem>>
    %dma_wait3A_306 = arith.constant 0 : i32
    %dma_wait3A_307 = tpu.memref_slice %arg10[%dma_wait3A_300, %dma_wait3A_306] : memref<4x128xi32, #tpu.memory_space<vmem>> -> memref<1x128xi32, #tpu.memory_space<vmem>>
    %dma_wait3A_308 = tpu.memref_squeeze %dma_wait3A_307 : memref<1x128xi32, #tpu.memory_space<vmem>> -> memref<128xi32, #tpu.memory_space<vmem>>
    %dma_wait3A_309 = arith.constant 0 : i32
    %dma_wait3A_310 = arith.constant 0 : i32
    %dma_wait3A_311 = tpu.memref_slice %arg5[%dma_wait3A_309, %dma_wait3A_310] : memref<1000000x64xf32, #tpu.memory_space<hbm>> -> memref<1000000x64xf32, #tpu.memory_space<hbm>>
    tpu.wait_indirect_dma semaphore(%arg17 : memref<!tpu.dma_semaphore, #tpu.memory_space<semaphore_mem>>) src(%dma_wait3A_311 : memref<1000000x64xf32, #tpu.memory_space<hbm>>) dst(%dma_wait3A_305 : memref<128x64xf32, #tpu.memory_space<vmem>>)
    %dma_wait3A_312 = arith.constant 2 : i32
    %dma_wait3A_313 = arith.constant 2 : i32
    %dma_wait3A_314 = arith.constant 0 : i32
    %dma_wait3A_315 = tpu.memref_slice %arg13[%dma_wait3A_313, %dma_wait3A_314] : memref<4x128xf32, #tpu.memory_space<vmem>> -> memref<1x128xf32, #tpu.memory_space<vmem>>
    %dma_wait3A_316 = tpu.memref_squeeze %dma_wait3A_315 : memref<1x128xf32, #tpu.memory_space<vmem>> -> memref<128xf32, #tpu.memory_space<vmem>>
    %dma_wait3A_317 = arith.constant 0 : i32
    %dma_wait3A_318 = tpu.memref_slice %arg9[%dma_wait3A_312, %dma_wait3A_317] : memref<4x128xi32, #tpu.memory_space<vmem>> -> memref<1x128xi32, #tpu.memory_space<vmem>>
    %dma_wait3A_319 = tpu.memref_squeeze %dma_wait3A_318 : memref<1x128xi32, #tpu.memory_space<vmem>> -> memref<128xi32, #tpu.memory_space<vmem>>
    %dma_wait3A_320 = arith.constant 0 : i32
    %dma_wait3A_321 = tpu.memref_slice %arg6[%dma_wait3A_320] : memref<1000000xf32, #tpu.memory_space<hbm>> -> memref<1000000xf32, #tpu.memory_space<hbm>>
    tpu.wait_indirect_dma semaphore(%arg17 : memref<!tpu.dma_semaphore, #tpu.memory_space<semaphore_mem>>) src(%dma_wait3A_321 : memref<1000000xf32, #tpu.memory_space<hbm>>) dst(%dma_wait3A_316 : memref<128xf32, #tpu.memory_space<vmem>>)
    %dma_wait3A_322 = arith.constant 2 : i32
    %dma_wait3A_323 = arith.constant 2 : i32
    %dma_wait3A_324 = arith.constant 0 : i32
    %dma_wait3A_325 = tpu.memref_slice %arg14[%dma_wait3A_323, %dma_wait3A_324] : memref<4x128xf32, #tpu.memory_space<vmem>> -> memref<1x128xf32, #tpu.memory_space<vmem>>
    %dma_wait3A_326 = tpu.memref_squeeze %dma_wait3A_325 : memref<1x128xf32, #tpu.memory_space<vmem>> -> memref<128xf32, #tpu.memory_space<vmem>>
    %dma_wait3A_327 = arith.constant 0 : i32
    %dma_wait3A_328 = tpu.memref_slice %arg10[%dma_wait3A_322, %dma_wait3A_327] : memref<4x128xi32, #tpu.memory_space<vmem>> -> memref<1x128xi32, #tpu.memory_space<vmem>>
    %dma_wait3A_329 = tpu.memref_squeeze %dma_wait3A_328 : memref<1x128xi32, #tpu.memory_space<vmem>> -> memref<128xi32, #tpu.memory_space<vmem>>
    %dma_wait3A_330 = arith.constant 0 : i32
    %dma_wait3A_331 = tpu.memref_slice %arg7[%dma_wait3A_330] : memref<1000000xf32, #tpu.memory_space<hbm>> -> memref<1000000xf32, #tpu.memory_space<hbm>>
    tpu.wait_indirect_dma semaphore(%arg17 : memref<!tpu.dma_semaphore, #tpu.memory_space<semaphore_mem>>) src(%dma_wait3A_331 : memref<1000000xf32, #tpu.memory_space<hbm>>) dst(%dma_wait3A_326 : memref<128xf32, #tpu.memory_space<vmem>>)
    %dma_wait3A_332 = arith.constant 3 : i32
    %dma_wait3A_333 = arith.constant 3 : i32
    %dma_wait3A_334 = arith.constant 0 : i32
    %dma_wait3A_335 = arith.constant 0 : i32
    %dma_wait3A_336 = tpu.memref_slice %arg11[%dma_wait3A_333, %dma_wait3A_334, %dma_wait3A_335] : memref<4x128x64xf32, #tpu.memory_space<vmem>> -> memref<1x128x64xf32, #tpu.memory_space<vmem>>
    %dma_wait3A_337 = tpu.memref_squeeze %dma_wait3A_336 : memref<1x128x64xf32, #tpu.memory_space<vmem>> -> memref<128x64xf32, #tpu.memory_space<vmem>>
    %dma_wait3A_338 = arith.constant 0 : i32
    %dma_wait3A_339 = tpu.memref_slice %arg9[%dma_wait3A_332, %dma_wait3A_338] : memref<4x128xi32, #tpu.memory_space<vmem>> -> memref<1x128xi32, #tpu.memory_space<vmem>>
    %dma_wait3A_340 = tpu.memref_squeeze %dma_wait3A_339 : memref<1x128xi32, #tpu.memory_space<vmem>> -> memref<128xi32, #tpu.memory_space<vmem>>
    %dma_wait3A_341 = arith.constant 0 : i32
    %dma_wait3A_342 = arith.constant 0 : i32
    %dma_wait3A_343 = tpu.memref_slice %arg4[%dma_wait3A_341, %dma_wait3A_342] : memref<1000000x64xf32, #tpu.memory_space<hbm>> -> memref<1000000x64xf32, #tpu.memory_space<hbm>>
    tpu.wait_indirect_dma semaphore(%arg17 : memref<!tpu.dma_semaphore, #tpu.memory_space<semaphore_mem>>) src(%dma_wait3A_343 : memref<1000000x64xf32, #tpu.memory_space<hbm>>) dst(%dma_wait3A_337 : memref<128x64xf32, #tpu.memory_space<vmem>>)
    %dma_wait3A_344 = arith.constant 3 : i32
    %dma_wait3A_345 = arith.constant 3 : i32
    %dma_wait3A_346 = arith.constant 0 : i32
    %dma_wait3A_347 = arith.constant 0 : i32
    %dma_wait3A_348 = tpu.memref_slice %arg12[%dma_wait3A_345, %dma_wait3A_346, %dma_wait3A_347] : memref<4x128x64xf32, #tpu.memory_space<vmem>> -> memref<1x128x64xf32, #tpu.memory_space<vmem>>
    %dma_wait3A_349 = tpu.memref_squeeze %dma_wait3A_348 : memref<1x128x64xf32, #tpu.memory_space<vmem>> -> memref<128x64xf32, #tpu.memory_space<vmem>>
    %dma_wait3A_350 = arith.constant 0 : i32
    %dma_wait3A_351 = tpu.memref_slice %arg10[%dma_wait3A_344, %dma_wait3A_350] : memref<4x128xi32, #tpu.memory_space<vmem>> -> memref<1x128xi32, #tpu.memory_space<vmem>>
    %dma_wait3A_352 = tpu.memref_squeeze %dma_wait3A_351 : memref<1x128xi32, #tpu.memory_space<vmem>> -> memref<128xi32, #tpu.memory_space<vmem>>
    %dma_wait3A_353 = arith.constant 0 : i32
    %dma_wait3A_354 = arith.constant 0 : i32
    %dma_wait3A_355 = tpu.memref_slice %arg5[%dma_wait3A_353, %dma_wait3A_354] : memref<1000000x64xf32, #tpu.memory_space<hbm>> -> memref<1000000x64xf32, #tpu.memory_space<hbm>>
    tpu.wait_indirect_dma semaphore(%arg17 : memref<!tpu.dma_semaphore, #tpu.memory_space<semaphore_mem>>) src(%dma_wait3A_355 : memref<1000000x64xf32, #tpu.memory_space<hbm>>) dst(%dma_wait3A_349 : memref<128x64xf32, #tpu.memory_space<vmem>>)
    %dma_wait3A_356 = arith.constant 3 : i32
    %dma_wait3A_357 = arith.constant 3 : i32
    %dma_wait3A_358 = arith.constant 0 : i32
    %dma_wait3A_359 = tpu.memref_slice %arg13[%dma_wait3A_357, %dma_wait3A_358] : memref<4x128xf32, #tpu.memory_space<vmem>> -> memref<1x128xf32, #tpu.memory_space<vmem>>
    %dma_wait3A_360 = tpu.memref_squeeze %dma_wait3A_359 : memref<1x128xf32, #tpu.memory_space<vmem>> -> memref<128xf32, #tpu.memory_space<vmem>>
    %dma_wait3A_361 = arith.constant 0 : i32
    %dma_wait3A_362 = tpu.memref_slice %arg9[%dma_wait3A_356, %dma_wait3A_361] : memref<4x128xi32, #tpu.memory_space<vmem>> -> memref<1x128xi32, #tpu.memory_space<vmem>>
    %dma_wait3A_363 = tpu.memref_squeeze %dma_wait3A_362 : memref<1x128xi32, #tpu.memory_space<vmem>> -> memref<128xi32, #tpu.memory_space<vmem>>
    %dma_wait3A_364 = arith.constant 0 : i32
    %dma_wait3A_365 = tpu.memref_slice %arg6[%dma_wait3A_364] : memref<1000000xf32, #tpu.memory_space<hbm>> -> memref<1000000xf32, #tpu.memory_space<hbm>>
    tpu.wait_indirect_dma semaphore(%arg17 : memref<!tpu.dma_semaphore, #tpu.memory_space<semaphore_mem>>) src(%dma_wait3A_365 : memref<1000000xf32, #tpu.memory_space<hbm>>) dst(%dma_wait3A_360 : memref<128xf32, #tpu.memory_space<vmem>>)
    %dma_wait3A_366 = arith.constant 3 : i32
    %dma_wait3A_367 = arith.constant 3 : i32
    %dma_wait3A_368 = arith.constant 0 : i32
    %dma_wait3A_369 = tpu.memref_slice %arg14[%dma_wait3A_367, %dma_wait3A_368] : memref<4x128xf32, #tpu.memory_space<vmem>> -> memref<1x128xf32, #tpu.memory_space<vmem>>
    %dma_wait3A_370 = tpu.memref_squeeze %dma_wait3A_369 : memref<1x128xf32, #tpu.memory_space<vmem>> -> memref<128xf32, #tpu.memory_space<vmem>>
    %dma_wait3A_371 = arith.constant 0 : i32
    %dma_wait3A_372 = tpu.memref_slice %arg10[%dma_wait3A_366, %dma_wait3A_371] : memref<4x128xi32, #tpu.memory_space<vmem>> -> memref<1x128xi32, #tpu.memory_space<vmem>>
    %dma_wait3A_373 = tpu.memref_squeeze %dma_wait3A_372 : memref<1x128xi32, #tpu.memory_space<vmem>> -> memref<128xi32, #tpu.memory_space<vmem>>
    %dma_wait3A_374 = arith.constant 0 : i32
    %dma_wait3A_375 = tpu.memref_slice %arg7[%dma_wait3A_374] : memref<1000000xf32, #tpu.memory_space<hbm>> -> memref<1000000xf32, #tpu.memory_space<hbm>>
    tpu.wait_indirect_dma semaphore(%arg17 : memref<!tpu.dma_semaphore, #tpu.memory_space<semaphore_mem>>) src(%dma_wait3A_375 : memref<1000000xf32, #tpu.memory_space<hbm>>) dst(%dma_wait3A_370 : memref<128xf32, #tpu.memory_space<vmem>>)
    %scan3A = arith.constant 0 : i32
    %scan3A_376 = arith.constant 0 : i32
    %scan3A_377 = arith.constant 128 : i32
    %scan3A_378 = arith.addi %scan3A_376, %scan3A_377 : i32
    %scan3A_379 = arith.constant 1 : i32
    %scan3A_380 = scf.for %scan3A_431 = %scan3A_376 to %scan3A_378 step %scan3A_379 iter_args(%scan3A_432 = %scan3A) -> (i32)  : i32 {
      %get3A = arith.constant 0 : i32
      %get3A_433 = arith.index_cast %get3A : i32 to index
      %get3A_434 = arith.index_cast %scan3A_431 : i32 to index
      %get3A_435 = arith.constant 0 : index
      %get3A_436 = tpu.vector_load %arg11[%get3A_433, %get3A_434, %get3A_435] {strides = array<i32>} : memref<4x128x64xf32, #tpu.memory_space<vmem>>, vector<16xf32>,
      %get3A_437 = arith.constant 0 : i32
      %get3A_438 = arith.index_cast %get3A_437 : i32 to index
      %get3A_439 = arith.index_cast %scan3A_431 : i32 to index
      %get3A_440 = arith.constant 0 : index
      %get3A_441 = tpu.vector_load %arg12[%get3A_438, %get3A_439, %get3A_440] {strides = array<i32>} : memref<4x128x64xf32, #tpu.memory_space<vmem>>, vector<16xf32>,
      %mul3A_442 = arith.mulf %get3A_436, %get3A_441 : vector<16xf32>
      %get3A_443 = arith.constant 0 : i32
      %get3A_444 = arith.index_cast %get3A_443 : i32 to index
      %get3A_445 = arith.index_cast %scan3A_431 : i32 to index
      %get3A_446 = arith.constant 16 : index
      %get3A_447 = tpu.vector_load %arg11[%get3A_444, %get3A_445, %get3A_446] {strides = array<i32>} : memref<4x128x64xf32, #tpu.memory_space<vmem>>, vector<16xf32>,
      %get3A_448 = arith.constant 0 : i32
      %get3A_449 = arith.index_cast %get3A_448 : i32 to index
      %get3A_450 = arith.index_cast %scan3A_431 : i32 to index
      %get3A_451 = arith.constant 16 : index
      %get3A_452 = tpu.vector_load %arg12[%get3A_449, %get3A_450, %get3A_451] {strides = array<i32>} : memref<4x128x64xf32, #tpu.memory_space<vmem>>, vector<16xf32>,
      %mul3A_453 = arith.mulf %get3A_447, %get3A_452 : vector<16xf32>
      %add3A_454 = arith.addf %mul3A_442, %mul3A_453 : vector<16xf32>
      %get3A_455 = arith.constant 0 : i32
      %get3A_456 = arith.index_cast %get3A_455 : i32 to index
      %get3A_457 = arith.index_cast %scan3A_431 : i32 to index
      %get3A_458 = arith.constant 32 : index
      %get3A_459 = tpu.vector_load %arg11[%get3A_456, %get3A_457, %get3A_458] {strides = array<i32>} : memref<4x128x64xf32, #tpu.memory_space<vmem>>, vector<16xf32>,
      %get3A_460 = arith.constant 0 : i32
      %get3A_461 = arith.index_cast %get3A_460 : i32 to index
      %get3A_462 = arith.index_cast %scan3A_431 : i32 to index
      %get3A_463 = arith.constant 32 : index
      %get3A_464 = tpu.vector_load %arg12[%get3A_461, %get3A_462, %get3A_463] {strides = array<i32>} : memref<4x128x64xf32, #tpu.memory_space<vmem>>, vector<16xf32>,
      %mul3A_465 = arith.mulf %get3A_459, %get3A_464 : vector<16xf32>
      %add3A_466 = arith.addf %add3A_454, %mul3A_465 : vector<16xf32>
      %get3A_467 = arith.constant 0 : i32
      %get3A_468 = arith.index_cast %get3A_467 : i32 to index
      %get3A_469 = arith.index_cast %scan3A_431 : i32 to index
      %get3A_470 = arith.constant 48 : index
      %get3A_471 = tpu.vector_load %arg11[%get3A_468, %get3A_469, %get3A_470] {strides = array<i32>} : memref<4x128x64xf32, #tpu.memory_space<vmem>>, vector<16xf32>,
      %get3A_472 = arith.constant 0 : i32
      %get3A_473 = arith.index_cast %get3A_472 : i32 to index
      %get3A_474 = arith.index_cast %scan3A_431 : i32 to index
      %get3A_475 = arith.constant 48 : index
      %get3A_476 = tpu.vector_load %arg12[%get3A_473, %get3A_474, %get3A_475] {strides = array<i32>} : memref<4x128x64xf32, #tpu.memory_space<vmem>>, vector<16xf32>,
      %mul3A_477 = arith.mulf %get3A_471, %get3A_476 : vector<16xf32>
      %add3A_478 = arith.addf %add3A_466, %mul3A_477 : vector<16xf32>
      %add3A_479 = arith.constant 0 : i32
      %add3A_480 = arith.addi %add3A_479, %scan3A_431 : i32
      %mul3A_481 = arith.constant 16 : i32
      %mul3A_482 = arith.muli %add3A_480, %mul3A_481 : i32
      %swap3A = arith.index_cast %mul3A_482 : i32 to index
      %swap3A_483 = tpu.vector_load %arg15[%swap3A] {strides = array<i32>} : memref<8192xf32, #tpu.memory_space<vmem>>, vector<16xf32>,
      tpu.vector_store %arg15[%swap3A], %add3A_478 {strides = array<i32>} : memref<8192xf32, #tpu.memory_space<vmem>>, vector<16xf32>,
      %scan3A_484 = arith.constant 0 : i32
      scf.yield %scan3A_484 : i32
    }
    %scan3A_381 = arith.constant 128 : i32
    %scan3A_382 = arith.constant 0 : i32
    %scan3A_383 = arith.constant 0 : i32
    %scan3A_384 = arith.constant 128 : i32
    %scan3A_385 = arith.addi %scan3A_383, %scan3A_384 : i32
    %scan3A_386 = arith.constant 1 : i32
    %scan3A_387 = scf.for %scan3A_431 = %scan3A_383 to %scan3A_385 step %scan3A_386 iter_args(%scan3A_432 = %scan3A_382) -> (i32)  : i32 {
      %get3A = arith.constant 1 : i32
      %get3A_433 = arith.index_cast %get3A : i32 to index
      %get3A_434 = arith.index_cast %scan3A_431 : i32 to index
      %get3A_435 = arith.constant 0 : index
      %get3A_436 = tpu.vector_load %arg11[%get3A_433, %get3A_434, %get3A_435] {strides = array<i32>} : memref<4x128x64xf32, #tpu.memory_space<vmem>>, vector<16xf32>,
      %get3A_437 = arith.constant 1 : i32
      %get3A_438 = arith.index_cast %get3A_437 : i32 to index
      %get3A_439 = arith.index_cast %scan3A_431 : i32 to index
      %get3A_440 = arith.constant 0 : index
      %get3A_441 = tpu.vector_load %arg12[%get3A_438, %get3A_439, %get3A_440] {strides = array<i32>} : memref<4x128x64xf32, #tpu.memory_space<vmem>>, vector<16xf32>,
      %mul3A_442 = arith.mulf %get3A_436, %get3A_441 : vector<16xf32>
      %get3A_443 = arith.constant 1 : i32
      %get3A_444 = arith.index_cast %get3A_443 : i32 to index
      %get3A_445 = arith.index_cast %scan3A_431 : i32 to index
      %get3A_446 = arith.constant 16 : index
      %get3A_447 = tpu.vector_load %arg11[%get3A_444, %get3A_445, %get3A_446] {strides = array<i32>} : memref<4x128x64xf32, #tpu.memory_space<vmem>>, vector<16xf32>,
      %get3A_448 = arith.constant 1 : i32
      %get3A_449 = arith.index_cast %get3A_448 : i32 to index
      %get3A_450 = arith.index_cast %scan3A_431 : i32 to index
      %get3A_451 = arith.constant 16 : index
      %get3A_452 = tpu.vector_load %arg12[%get3A_449, %get3A_450, %get3A_451] {strides = array<i32>} : memref<4x128x64xf32, #tpu.memory_space<vmem>>, vector<16xf32>,
      %mul3A_453 = arith.mulf %get3A_447, %get3A_452 : vector<16xf32>
      %add3A_454 = arith.addf %mul3A_442, %mul3A_453 : vector<16xf32>
      %get3A_455 = arith.constant 1 : i32
      %get3A_456 = arith.index_cast %get3A_455 : i32 to index
      %get3A_457 = arith.index_cast %scan3A_431 : i32 to index
      %get3A_458 = arith.constant 32 : index
      %get3A_459 = tpu.vector_load %arg11[%get3A_456, %get3A_457, %get3A_458] {strides = array<i32>} : memref<4x128x64xf32, #tpu.memory_space<vmem>>, vector<16xf32>,
      %get3A_460 = arith.constant 1 : i32
      %get3A_461 = arith.index_cast %get3A_460 : i32 to index
      %get3A_462 = arith.index_cast %scan3A_431 : i32 to index
      %get3A_463 = arith.constant 32 : index
      %get3A_464 = tpu.vector_load %arg12[%get3A_461, %get3A_462, %get3A_463] {strides = array<i32>} : memref<4x128x64xf32, #tpu.memory_space<vmem>>, vector<16xf32>,
      %mul3A_465 = arith.mulf %get3A_459, %get3A_464 : vector<16xf32>
      %add3A_466 = arith.addf %add3A_454, %mul3A_465 : vector<16xf32>
      %get3A_467 = arith.constant 1 : i32
      %get3A_468 = arith.index_cast %get3A_467 : i32 to index
      %get3A_469 = arith.index_cast %scan3A_431 : i32 to index
      %get3A_470 = arith.constant 48 : index
      %get3A_471 = tpu.vector_load %arg11[%get3A_468, %get3A_469, %get3A_470] {strides = array<i32>} : memref<4x128x64xf32, #tpu.memory_space<vmem>>, vector<16xf32>,
      %get3A_472 = arith.constant 1 : i32
      %get3A_473 = arith.index_cast %get3A_472 : i32 to index
      %get3A_474 = arith.index_cast %scan3A_431 : i32 to index
      %get3A_475 = arith.constant 48 : index
      %get3A_476 = tpu.vector_load %arg12[%get3A_473, %get3A_474, %get3A_475] {strides = array<i32>} : memref<4x128x64xf32, #tpu.memory_space<vmem>>, vector<16xf32>,
      %mul3A_477 = arith.mulf %get3A_471, %get3A_476 : vector<16xf32>
      %add3A_478 = arith.addf %add3A_466, %mul3A_477 : vector<16xf32>
      %add3A_479 = arith.constant 128 : i32
      %add3A_480 = arith.addi %add3A_479, %scan3A_431 : i32
      %mul3A_481 = arith.constant 16 : i32
      %mul3A_482 = arith.muli %add3A_480, %mul3A_481 : i32
      %swap3A = arith.index_cast %mul3A_482 : i32 to index
      %swap3A_483 = tpu.vector_load %arg15[%swap3A] {strides = array<i32>} : memref<8192xf32, #tpu.memory_space<vmem>>, vector<16xf32>,
      tpu.vector_store %arg15[%swap3A], %add3A_478 {strides = array<i32>} : memref<8192xf32, #tpu.memory_space<vmem>>, vector<16xf32>,
      %scan3A_484 = arith.constant 0 : i32
      scf.yield %scan3A_484 : i32
    }
    %scan3A_388 = arith.constant 128 : i32
    %scan3A_389 = arith.constant 0 : i32
    %scan3A_390 = arith.constant 0 : i32
    %scan3A_391 = arith.constant 128 : i32
    %scan3A_392 = arith.addi %scan3A_390, %scan3A_391 : i32
    %scan3A_393 = arith.constant 1 : i32
    %scan3A_394 = scf.for %scan3A_431 = %scan3A_390 to %scan3A_392 step %scan3A_393 iter_args(%scan3A_432 = %scan3A_389) -> (i32)  : i32 {
      %get3A = arith.constant 2 : i32
      %get3A_433 = arith.index_cast %get3A : i32 to index
      %get3A_434 = arith.index_cast %scan3A_431 : i32 to index
      %get3A_435 = arith.constant 0 : index
      %get3A_436 = tpu.vector_load %arg11[%get3A_433, %get3A_434, %get3A_435] {strides = array<i32>} : memref<4x128x64xf32, #tpu.memory_space<vmem>>, vector<16xf32>,
      %get3A_437 = arith.constant 2 : i32
      %get3A_438 = arith.index_cast %get3A_437 : i32 to index
      %get3A_439 = arith.index_cast %scan3A_431 : i32 to index
      %get3A_440 = arith.constant 0 : index
      %get3A_441 = tpu.vector_load %arg12[%get3A_438, %get3A_439, %get3A_440] {strides = array<i32>} : memref<4x128x64xf32, #tpu.memory_space<vmem>>, vector<16xf32>,
      %mul3A_442 = arith.mulf %get3A_436, %get3A_441 : vector<16xf32>
      %get3A_443 = arith.constant 2 : i32
      %get3A_444 = arith.index_cast %get3A_443 : i32 to index
      %get3A_445 = arith.index_cast %scan3A_431 : i32 to index
      %get3A_446 = arith.constant 16 : index
      %get3A_447 = tpu.vector_load %arg11[%get3A_444, %get3A_445, %get3A_446] {strides = array<i32>} : memref<4x128x64xf32, #tpu.memory_space<vmem>>, vector<16xf32>,
      %get3A_448 = arith.constant 2 : i32
      %get3A_449 = arith.index_cast %get3A_448 : i32 to index
      %get3A_450 = arith.index_cast %scan3A_431 : i32 to index
      %get3A_451 = arith.constant 16 : index
      %get3A_452 = tpu.vector_load %arg12[%get3A_449, %get3A_450, %get3A_451] {strides = array<i32>} : memref<4x128x64xf32, #tpu.memory_space<vmem>>, vector<16xf32>,
      %mul3A_453 = arith.mulf %get3A_447, %get3A_452 : vector<16xf32>
      %add3A_454 = arith.addf %mul3A_442, %mul3A_453 : vector<16xf32>
      %get3A_455 = arith.constant 2 : i32
      %get3A_456 = arith.index_cast %get3A_455 : i32 to index
      %get3A_457 = arith.index_cast %scan3A_431 : i32 to index
      %get3A_458 = arith.constant 32 : index
      %get3A_459 = tpu.vector_load %arg11[%get3A_456, %get3A_457, %get3A_458] {strides = array<i32>} : memref<4x128x64xf32, #tpu.memory_space<vmem>>, vector<16xf32>,
      %get3A_460 = arith.constant 2 : i32
      %get3A_461 = arith.index_cast %get3A_460 : i32 to index
      %get3A_462 = arith.index_cast %scan3A_431 : i32 to index
      %get3A_463 = arith.constant 32 : index
      %get3A_464 = tpu.vector_load %arg12[%get3A_461, %get3A_462, %get3A_463] {strides = array<i32>} : memref<4x128x64xf32, #tpu.memory_space<vmem>>, vector<16xf32>,
      %mul3A_465 = arith.mulf %get3A_459, %get3A_464 : vector<16xf32>
      %add3A_466 = arith.addf %add3A_454, %mul3A_465 : vector<16xf32>
      %get3A_467 = arith.constant 2 : i32
      %get3A_468 = arith.index_cast %get3A_467 : i32 to index
      %get3A_469 = arith.index_cast %scan3A_431 : i32 to index
      %get3A_470 = arith.constant 48 : index
      %get3A_471 = tpu.vector_load %arg11[%get3A_468, %get3A_469, %get3A_470] {strides = array<i32>} : memref<4x128x64xf32, #tpu.memory_space<vmem>>, vector<16xf32>,
      %get3A_472 = arith.constant 2 : i32
      %get3A_473 = arith.index_cast %get3A_472 : i32 to index
      %get3A_474 = arith.index_cast %scan3A_431 : i32 to index
      %get3A_475 = arith.constant 48 : index
      %get3A_476 = tpu.vector_load %arg12[%get3A_473, %get3A_474, %get3A_475] {strides = array<i32>} : memref<4x128x64xf32, #tpu.memory_space<vmem>>, vector<16xf32>,
      %mul3A_477 = arith.mulf %get3A_471, %get3A_476 : vector<16xf32>
      %add3A_478 = arith.addf %add3A_466, %mul3A_477 : vector<16xf32>
      %add3A_479 = arith.constant 256 : i32
      %add3A_480 = arith.addi %add3A_479, %scan3A_431 : i32
      %mul3A_481 = arith.constant 16 : i32
      %mul3A_482 = arith.muli %add3A_480, %mul3A_481 : i32
      %swap3A = arith.index_cast %mul3A_482 : i32 to index
      %swap3A_483 = tpu.vector_load %arg15[%swap3A] {strides = array<i32>} : memref<8192xf32, #tpu.memory_space<vmem>>, vector<16xf32>,
      tpu.vector_store %arg15[%swap3A], %add3A_478 {strides = array<i32>} : memref<8192xf32, #tpu.memory_space<vmem>>, vector<16xf32>,
      %scan3A_484 = arith.constant 0 : i32
      scf.yield %scan3A_484 : i32
    }
    %scan3A_395 = arith.constant 128 : i32
    %scan3A_396 = arith.constant 0 : i32
    %scan3A_397 = arith.constant 0 : i32
    %scan3A_398 = arith.constant 128 : i32
    %scan3A_399 = arith.addi %scan3A_397, %scan3A_398 : i32
    %scan3A_400 = arith.constant 1 : i32
    %scan3A_401 = scf.for %scan3A_431 = %scan3A_397 to %scan3A_399 step %scan3A_400 iter_args(%scan3A_432 = %scan3A_396) -> (i32)  : i32 {
      %get3A = arith.constant 3 : i32
      %get3A_433 = arith.index_cast %get3A : i32 to index
      %get3A_434 = arith.index_cast %scan3A_431 : i32 to index
      %get3A_435 = arith.constant 0 : index
      %get3A_436 = tpu.vector_load %arg11[%get3A_433, %get3A_434, %get3A_435] {strides = array<i32>} : memref<4x128x64xf32, #tpu.memory_space<vmem>>, vector<16xf32>,
      %get3A_437 = arith.constant 3 : i32
      %get3A_438 = arith.index_cast %get3A_437 : i32 to index
      %get3A_439 = arith.index_cast %scan3A_431 : i32 to index
      %get3A_440 = arith.constant 0 : index
      %get3A_441 = tpu.vector_load %arg12[%get3A_438, %get3A_439, %get3A_440] {strides = array<i32>} : memref<4x128x64xf32, #tpu.memory_space<vmem>>, vector<16xf32>,
      %mul3A_442 = arith.mulf %get3A_436, %get3A_441 : vector<16xf32>
      %get3A_443 = arith.constant 3 : i32
      %get3A_444 = arith.index_cast %get3A_443 : i32 to index
      %get3A_445 = arith.index_cast %scan3A_431 : i32 to index
      %get3A_446 = arith.constant 16 : index
      %get3A_447 = tpu.vector_load %arg11[%get3A_444, %get3A_445, %get3A_446] {strides = array<i32>} : memref<4x128x64xf32, #tpu.memory_space<vmem>>, vector<16xf32>,
      %get3A_448 = arith.constant 3 : i32
      %get3A_449 = arith.index_cast %get3A_448 : i32 to index
      %get3A_450 = arith.index_cast %scan3A_431 : i32 to index
      %get3A_451 = arith.constant 16 : index
      %get3A_452 = tpu.vector_load %arg12[%get3A_449, %get3A_450, %get3A_451] {strides = array<i32>} : memref<4x128x64xf32, #tpu.memory_space<vmem>>, vector<16xf32>,
      %mul3A_453 = arith.mulf %get3A_447, %get3A_452 : vector<16xf32>
      %add3A_454 = arith.addf %mul3A_442, %mul3A_453 : vector<16xf32>
      %get3A_455 = arith.constant 3 : i32
      %get3A_456 = arith.index_cast %get3A_455 : i32 to index
      %get3A_457 = arith.index_cast %scan3A_431 : i32 to index
      %get3A_458 = arith.constant 32 : index
      %get3A_459 = tpu.vector_load %arg11[%get3A_456, %get3A_457, %get3A_458] {strides = array<i32>} : memref<4x128x64xf32, #tpu.memory_space<vmem>>, vector<16xf32>,
      %get3A_460 = arith.constant 3 : i32
      %get3A_461 = arith.index_cast %get3A_460 : i32 to index
      %get3A_462 = arith.index_cast %scan3A_431 : i32 to index
      %get3A_463 = arith.constant 32 : index
      %get3A_464 = tpu.vector_load %arg12[%get3A_461, %get3A_462, %get3A_463] {strides = array<i32>} : memref<4x128x64xf32, #tpu.memory_space<vmem>>, vector<16xf32>,
      %mul3A_465 = arith.mulf %get3A_459, %get3A_464 : vector<16xf32>
      %add3A_466 = arith.addf %add3A_454, %mul3A_465 : vector<16xf32>
      %get3A_467 = arith.constant 3 : i32
      %get3A_468 = arith.index_cast %get3A_467 : i32 to index
      %get3A_469 = arith.index_cast %scan3A_431 : i32 to index
      %get3A_470 = arith.constant 48 : index
      %get3A_471 = tpu.vector_load %arg11[%get3A_468, %get3A_469, %get3A_470] {strides = array<i32>} : memref<4x128x64xf32, #tpu.memory_space<vmem>>, vector<16xf32>,
      %get3A_472 = arith.constant 3 : i32
      %get3A_473 = arith.index_cast %get3A_472 : i32 to index
      %get3A_474 = arith.index_cast %scan3A_431 : i32 to index
      %get3A_475 = arith.constant 48 : index
      %get3A_476 = tpu.vector_load %arg12[%get3A_473, %get3A_474, %get3A_475] {strides = array<i32>} : memref<4x128x64xf32, #tpu.memory_space<vmem>>, vector<16xf32>,
      %mul3A_477 = arith.mulf %get3A_471, %get3A_476 : vector<16xf32>
      %add3A_478 = arith.addf %add3A_466, %mul3A_477 : vector<16xf32>
      %add3A_479 = arith.constant 384 : i32
      %add3A_480 = arith.addi %add3A_479, %scan3A_431 : i32
      %mul3A_481 = arith.constant 16 : i32
      %mul3A_482 = arith.muli %add3A_480, %mul3A_481 : i32
      %swap3A = arith.index_cast %mul3A_482 : i32 to index
      %swap3A_483 = tpu.vector_load %arg15[%swap3A] {strides = array<i32>} : memref<8192xf32, #tpu.memory_space<vmem>>, vector<16xf32>,
      tpu.vector_store %arg15[%swap3A], %add3A_478 {strides = array<i32>} : memref<8192xf32, #tpu.memory_space<vmem>>, vector<16xf32>,
      %scan3A_484 = arith.constant 0 : i32
      scf.yield %scan3A_484 : i32
    }
    %scan3A_402 = arith.constant 128 : i32
    %iota3A = tpu.iota {dimensions = array<i32: 0>} : vector<16xi32>
    %scan3A_403 = arith.constant 0 : i32
    %scan3A_404 = arith.constant 0 : i32
    %scan3A_405 = arith.constant 8 : i32
    %scan3A_406 = arith.addi %scan3A_404, %scan3A_405 : i32
    %scan3A_407 = arith.constant 1 : i32
    %scan3A_408 = scf.for %scan3A_431 = %scan3A_404 to %scan3A_406 step %scan3A_407 iter_args(%scan3A_432 = %scan3A_403) -> (i32)  : i32 {
      %mul3A_433 = arith.constant 16 : i32
      %mul3A_434 = arith.muli %scan3A_431, %mul3A_433 : i32
      %add3A_435 = arith.constant 0 : i32
      %add3A_436 = arith.addi %add3A_435, %mul3A_434 : i32
      %mul3A_437 = arith.constant 16 : i32
      %mul3A_438 = arith.muli %add3A_436, %mul3A_437 : i32
      %mul3A_439 = arith.constant 16 : i32
      %mul3A_440 = vector.broadcast %mul3A_439 : i32 to vector<16xi32>
      %mul3A_441 = arith.muli %iota3A, %mul3A_440 : vector<16xi32>
      %add3A_442 = vector.broadcast %mul3A_438 : i32 to vector<16xi32>
      %add3A_443 = arith.addi %add3A_442, %mul3A_441 : vector<16xi32>
      %gather3A = tpu.vector_load_idx %arg15[%add3A_443] : memref<8192xf32, #tpu.memory_space<vmem>>[vector<16xi32>], vector<16xf32>,
      %add3A_444 = arith.constant 1 : i32
      %add3A_445 = vector.broadcast %add3A_444 : i32 to vector<16xi32>
      %add3A_446 = arith.addi %add3A_443, %add3A_445 : vector<16xi32>
      %gather3A_447 = tpu.vector_load_idx %arg15[%add3A_446] : memref<8192xf32, #tpu.memory_space<vmem>>[vector<16xi32>], vector<16xf32>,
      %add3A_448 = arith.addf %gather3A, %gather3A_447 : vector<16xf32>
      %add3A_449 = arith.constant 2 : i32
      %add3A_450 = vector.broadcast %add3A_449 : i32 to vector<16xi32>
      %add3A_451 = arith.addi %add3A_443, %add3A_450 : vector<16xi32>
      %gather3A_452 = tpu.vector_load_idx %arg15[%add3A_451] : memref<8192xf32, #tpu.memory_space<vmem>>[vector<16xi32>], vector<16xf32>,
      %add3A_453 = arith.addf %add3A_448, %gather3A_452 : vector<16xf32>
      %add3A_454 = arith.constant 3 : i32
      %add3A_455 = vector.broadcast %add3A_454 : i32 to vector<16xi32>
      %add3A_456 = arith.addi %add3A_443, %add3A_455 : vector<16xi32>
      %gather3A_457 = tpu.vector_load_idx %arg15[%add3A_456] : memref<8192xf32, #tpu.memory_space<vmem>>[vector<16xi32>], vector<16xf32>,
      %add3A_458 = arith.addf %add3A_453, %gather3A_457 : vector<16xf32>
      %add3A_459 = arith.constant 4 : i32
      %add3A_460 = vector.broadcast %add3A_459 : i32 to vector<16xi32>
      %add3A_461 = arith.addi %add3A_443, %add3A_460 : vector<16xi32>
      %gather3A_462 = tpu.vector_load_idx %arg15[%add3A_461] : memref<8192xf32, #tpu.memory_space<vmem>>[vector<16xi32>], vector<16xf32>,
      %add3A_463 = arith.addf %add3A_458, %gather3A_462 : vector<16xf32>
      %add3A_464 = arith.constant 5 : i32
      %add3A_465 = vector.broadcast %add3A_464 : i32 to vector<16xi32>
      %add3A_466 = arith.addi %add3A_443, %add3A_465 : vector<16xi32>
      %gather3A_467 = tpu.vector_load_idx %arg15[%add3A_466] : memref<8192xf32, #tpu.memory_space<vmem>>[vector<16xi32>], vector<16xf32>,
      %add3A_468 = arith.addf %add3A_463, %gather3A_467 : vector<16xf32>
      %add3A_469 = arith.constant 6 : i32
      %add3A_470 = vector.broadcast %add3A_469 : i32 to vector<16xi32>
      %add3A_471 = arith.addi %add3A_443, %add3A_470 : vector<16xi32>
      %gather3A_472 = tpu.vector_load_idx %arg15[%add3A_471] : memref<8192xf32, #tpu.memory_space<vmem>>[vector<16xi32>], vector<16xf32>,
      %add3A_473 = arith.addf %add3A_468, %gather3A_472 : vector<16xf32>
      %add3A_474 = arith.constant 7 : i32
      %add3A_475 = vector.broadcast %add3A_474 : i32 to vector<16xi32>
      %add3A_476 = arith.addi %add3A_443, %add3A_475 : vector<16xi32>
      %gather3A_477 = tpu.vector_load_idx %arg15[%add3A_476] : memref<8192xf32, #tpu.memory_space<vmem>>[vector<16xi32>], vector<16xf32>,
      %add3A_478 = arith.addf %add3A_473, %gather3A_477 : vector<16xf32>
      %add3A_479 = arith.constant 8 : i32
      %add3A_480 = vector.broadcast %add3A_479 : i32 to vector<16xi32>
      %add3A_481 = arith.addi %add3A_443, %add3A_480 : vector<16xi32>
      %gather3A_482 = tpu.vector_load_idx %arg15[%add3A_481] : memref<8192xf32, #tpu.memory_space<vmem>>[vector<16xi32>], vector<16xf32>,
      %add3A_483 = arith.addf %add3A_478, %gather3A_482 : vector<16xf32>
      %add3A_484 = arith.constant 9 : i32
      %add3A_485 = vector.broadcast %add3A_484 : i32 to vector<16xi32>
      %add3A_486 = arith.addi %add3A_443, %add3A_485 : vector<16xi32>
      %gather3A_487 = tpu.vector_load_idx %arg15[%add3A_486] : memref<8192xf32, #tpu.memory_space<vmem>>[vector<16xi32>], vector<16xf32>,
      %add3A_488 = arith.addf %add3A_483, %gather3A_487 : vector<16xf32>
      %add3A_489 = arith.constant 10 : i32
      %add3A_490 = vector.broadcast %add3A_489 : i32 to vector<16xi32>
      %add3A_491 = arith.addi %add3A_443, %add3A_490 : vector<16xi32>
      %gather3A_492 = tpu.vector_load_idx %arg15[%add3A_491] : memref<8192xf32, #tpu.memory_space<vmem>>[vector<16xi32>], vector<16xf32>,
      %add3A_493 = arith.addf %add3A_488, %gather3A_492 : vector<16xf32>
      %add3A_494 = arith.constant 11 : i32
      %add3A_495 = vector.broadcast %add3A_494 : i32 to vector<16xi32>
      %add3A_496 = arith.addi %add3A_443, %add3A_495 : vector<16xi32>
      %gather3A_497 = tpu.vector_load_idx %arg15[%add3A_496] : memref<8192xf32, #tpu.memory_space<vmem>>[vector<16xi32>], vector<16xf32>,
      %add3A_498 = arith.addf %add3A_493, %gather3A_497 : vector<16xf32>
      %add3A_499 = arith.constant 12 : i32
      %add3A_500 = vector.broadcast %add3A_499 : i32 to vector<16xi32>
      %add3A_501 = arith.addi %add3A_443, %add3A_500 : vector<16xi32>
      %gather3A_502 = tpu.vector_load_idx %arg15[%add3A_501] : memref<8192xf32, #tpu.memory_space<vmem>>[vector<16xi32>], vector<16xf32>,
      %add3A_503 = arith.addf %add3A_498, %gather3A_502 : vector<16xf32>
      %add3A_504 = arith.constant 13 : i32
      %add3A_505 = vector.broadcast %add3A_504 : i32 to vector<16xi32>
      %add3A_506 = arith.addi %add3A_443, %add3A_505 : vector<16xi32>
      %gather3A_507 = tpu.vector_load_idx %arg15[%add3A_506] : memref<8192xf32, #tpu.memory_space<vmem>>[vector<16xi32>], vector<16xf32>,
      %add3A_508 = arith.addf %add3A_503, %gather3A_507 : vector<16xf32>
      %add3A_509 = arith.constant 14 : i32
      %add3A_510 = vector.broadcast %add3A_509 : i32 to vector<16xi32>
      %add3A_511 = arith.addi %add3A_443, %add3A_510 : vector<16xi32>
      %gather3A_512 = tpu.vector_load_idx %arg15[%add3A_511] : memref<8192xf32, #tpu.memory_space<vmem>>[vector<16xi32>], vector<16xf32>,
      %add3A_513 = arith.addf %add3A_508, %gather3A_512 : vector<16xf32>
      %add3A_514 = arith.constant 15 : i32
      %add3A_515 = vector.broadcast %add3A_514 : i32 to vector<16xi32>
      %add3A_516 = arith.addi %add3A_443, %add3A_515 : vector<16xi32>
      %gather3A_517 = tpu.vector_load_idx %arg15[%add3A_516] : memref<8192xf32, #tpu.memory_space<vmem>>[vector<16xi32>], vector<16xf32>,
      %add3A_518 = arith.addf %add3A_513, %gather3A_517 : vector<16xf32>
      %mul3A_519 = arith.constant 16 : i32
      %mul3A_520 = arith.muli %scan3A_431, %mul3A_519 : i32
      %get3A = arith.constant 0 : i32
      %get3A_521 = arith.index_cast %get3A : i32 to index
      %get3A_522 = arith.index_cast %mul3A_520 : i32 to index
      %get3A_523 = tpu.vector_load %arg13[%get3A_521, %get3A_522] {strides = array<i32>} : memref<4x128xf32, #tpu.memory_space<vmem>>, vector<16xf32>,
      %add3A_524 = arith.addf %add3A_518, %get3A_523 : vector<16xf32>
      %mul3A_525 = arith.constant 16 : i32
      %mul3A_526 = arith.muli %scan3A_431, %mul3A_525 : i32
      %get3A_527 = arith.constant 0 : i32
      %get3A_528 = arith.index_cast %get3A_527 : i32 to index
      %get3A_529 = arith.index_cast %mul3A_526 : i32 to index
      %get3A_530 = tpu.vector_load %arg14[%get3A_528, %get3A_529] {strides = array<i32>} : memref<4x128xf32, #tpu.memory_space<vmem>>, vector<16xf32>,
      %add3A_531 = arith.addf %add3A_524, %get3A_530 : vector<16xf32>
      %swap3A = arith.index_cast %add3A_436 : i32 to index
      %swap3A_532 = tpu.vector_load %arg16[%swap3A] {strides = array<i32>} : memref<512xf32, #tpu.memory_space<vmem>>, vector<16xf32>,
      tpu.vector_store %arg16[%swap3A], %add3A_531 {strides = array<i32>} : memref<512xf32, #tpu.memory_space<vmem>>, vector<16xf32>,
      %scan3A_533 = arith.constant 0 : i32
      scf.yield %scan3A_533 : i32
    }
    %scan3A_409 = arith.constant 8 : i32
    %scan3A_410 = arith.constant 0 : i32
    %scan3A_411 = arith.constant 0 : i32
    %scan3A_412 = arith.constant 8 : i32
    %scan3A_413 = arith.addi %scan3A_411, %scan3A_412 : i32
    %scan3A_414 = arith.constant 1 : i32
    %scan3A_415 = scf.for %scan3A_431 = %scan3A_411 to %scan3A_413 step %scan3A_414 iter_args(%scan3A_432 = %scan3A_410) -> (i32)  : i32 {
      %mul3A_433 = arith.constant 16 : i32
      %mul3A_434 = arith.muli %scan3A_431, %mul3A_433 : i32
      %add3A_435 = arith.constant 128 : i32
      %add3A_436 = arith.addi %add3A_435, %mul3A_434 : i32
      %mul3A_437 = arith.constant 16 : i32
      %mul3A_438 = arith.muli %add3A_436, %mul3A_437 : i32
      %mul3A_439 = arith.constant 16 : i32
      %mul3A_440 = vector.broadcast %mul3A_439 : i32 to vector<16xi32>
      %mul3A_441 = arith.muli %iota3A, %mul3A_440 : vector<16xi32>
      %add3A_442 = vector.broadcast %mul3A_438 : i32 to vector<16xi32>
      %add3A_443 = arith.addi %add3A_442, %mul3A_441 : vector<16xi32>
      %gather3A = tpu.vector_load_idx %arg15[%add3A_443] : memref<8192xf32, #tpu.memory_space<vmem>>[vector<16xi32>], vector<16xf32>,
      %add3A_444 = arith.constant 1 : i32
      %add3A_445 = vector.broadcast %add3A_444 : i32 to vector<16xi32>
      %add3A_446 = arith.addi %add3A_443, %add3A_445 : vector<16xi32>
      %gather3A_447 = tpu.vector_load_idx %arg15[%add3A_446] : memref<8192xf32, #tpu.memory_space<vmem>>[vector<16xi32>], vector<16xf32>,
      %add3A_448 = arith.addf %gather3A, %gather3A_447 : vector<16xf32>
      %add3A_449 = arith.constant 2 : i32
      %add3A_450 = vector.broadcast %add3A_449 : i32 to vector<16xi32>
      %add3A_451 = arith.addi %add3A_443, %add3A_450 : vector<16xi32>
      %gather3A_452 = tpu.vector_load_idx %arg15[%add3A_451] : memref<8192xf32, #tpu.memory_space<vmem>>[vector<16xi32>], vector<16xf32>,
      %add3A_453 = arith.addf %add3A_448, %gather3A_452 : vector<16xf32>
      %add3A_454 = arith.constant 3 : i32
      %add3A_455 = vector.broadcast %add3A_454 : i32 to vector<16xi32>
      %add3A_456 = arith.addi %add3A_443, %add3A_455 : vector<16xi32>
      %gather3A_457 = tpu.vector_load_idx %arg15[%add3A_456] : memref<8192xf32, #tpu.memory_space<vmem>>[vector<16xi32>], vector<16xf32>,
      %add3A_458 = arith.addf %add3A_453, %gather3A_457 : vector<16xf32>
      %add3A_459 = arith.constant 4 : i32
      %add3A_460 = vector.broadcast %add3A_459 : i32 to vector<16xi32>
      %add3A_461 = arith.addi %add3A_443, %add3A_460 : vector<16xi32>
      %gather3A_462 = tpu.vector_load_idx %arg15[%add3A_461] : memref<8192xf32, #tpu.memory_space<vmem>>[vector<16xi32>], vector<16xf32>,
      %add3A_463 = arith.addf %add3A_458, %gather3A_462 : vector<16xf32>
      %add3A_464 = arith.constant 5 : i32
      %add3A_465 = vector.broadcast %add3A_464 : i32 to vector<16xi32>
      %add3A_466 = arith.addi %add3A_443, %add3A_465 : vector<16xi32>
      %gather3A_467 = tpu.vector_load_idx %arg15[%add3A_466] : memref<8192xf32, #tpu.memory_space<vmem>>[vector<16xi32>], vector<16xf32>,
      %add3A_468 = arith.addf %add3A_463, %gather3A_467 : vector<16xf32>
      %add3A_469 = arith.constant 6 : i32
      %add3A_470 = vector.broadcast %add3A_469 : i32 to vector<16xi32>
      %add3A_471 = arith.addi %add3A_443, %add3A_470 : vector<16xi32>
      %gather3A_472 = tpu.vector_load_idx %arg15[%add3A_471] : memref<8192xf32, #tpu.memory_space<vmem>>[vector<16xi32>], vector<16xf32>,
      %add3A_473 = arith.addf %add3A_468, %gather3A_472 : vector<16xf32>
      %add3A_474 = arith.constant 7 : i32
      %add3A_475 = vector.broadcast %add3A_474 : i32 to vector<16xi32>
      %add3A_476 = arith.addi %add3A_443, %add3A_475 : vector<16xi32>
      %gather3A_477 = tpu.vector_load_idx %arg15[%add3A_476] : memref<8192xf32, #tpu.memory_space<vmem>>[vector<16xi32>], vector<16xf32>,
      %add3A_478 = arith.addf %add3A_473, %gather3A_477 : vector<16xf32>
      %add3A_479 = arith.constant 8 : i32
      %add3A_480 = vector.broadcast %add3A_479 : i32 to vector<16xi32>
      %add3A_481 = arith.addi %add3A_443, %add3A_480 : vector<16xi32>
      %gather3A_482 = tpu.vector_load_idx %arg15[%add3A_481] : memref<8192xf32, #tpu.memory_space<vmem>>[vector<16xi32>], vector<16xf32>,
      %add3A_483 = arith.addf %add3A_478, %gather3A_482 : vector<16xf32>
      %add3A_484 = arith.constant 9 : i32
      %add3A_485 = vector.broadcast %add3A_484 : i32 to vector<16xi32>
      %add3A_486 = arith.addi %add3A_443, %add3A_485 : vector<16xi32>
      %gather3A_487 = tpu.vector_load_idx %arg15[%add3A_486] : memref<8192xf32, #tpu.memory_space<vmem>>[vector<16xi32>], vector<16xf32>,
      %add3A_488 = arith.addf %add3A_483, %gather3A_487 : vector<16xf32>
      %add3A_489 = arith.constant 10 : i32
      %add3A_490 = vector.broadcast %add3A_489 : i32 to vector<16xi32>
      %add3A_491 = arith.addi %add3A_443, %add3A_490 : vector<16xi32>
      %gather3A_492 = tpu.vector_load_idx %arg15[%add3A_491] : memref<8192xf32, #tpu.memory_space<vmem>>[vector<16xi32>], vector<16xf32>,
      %add3A_493 = arith.addf %add3A_488, %gather3A_492 : vector<16xf32>
      %add3A_494 = arith.constant 11 : i32
      %add3A_495 = vector.broadcast %add3A_494 : i32 to vector<16xi32>
      %add3A_496 = arith.addi %add3A_443, %add3A_495 : vector<16xi32>
      %gather3A_497 = tpu.vector_load_idx %arg15[%add3A_496] : memref<8192xf32, #tpu.memory_space<vmem>>[vector<16xi32>], vector<16xf32>,
      %add3A_498 = arith.addf %add3A_493, %gather3A_497 : vector<16xf32>
      %add3A_499 = arith.constant 12 : i32
      %add3A_500 = vector.broadcast %add3A_499 : i32 to vector<16xi32>
      %add3A_501 = arith.addi %add3A_443, %add3A_500 : vector<16xi32>
      %gather3A_502 = tpu.vector_load_idx %arg15[%add3A_501] : memref<8192xf32, #tpu.memory_space<vmem>>[vector<16xi32>], vector<16xf32>,
      %add3A_503 = arith.addf %add3A_498, %gather3A_502 : vector<16xf32>
      %add3A_504 = arith.constant 13 : i32
      %add3A_505 = vector.broadcast %add3A_504 : i32 to vector<16xi32>
      %add3A_506 = arith.addi %add3A_443, %add3A_505 : vector<16xi32>
      %gather3A_507 = tpu.vector_load_idx %arg15[%add3A_506] : memref<8192xf32, #tpu.memory_space<vmem>>[vector<16xi32>], vector<16xf32>,
      %add3A_508 = arith.addf %add3A_503, %gather3A_507 : vector<16xf32>
      %add3A_509 = arith.constant 14 : i32
      %add3A_510 = vector.broadcast %add3A_509 : i32 to vector<16xi32>
      %add3A_511 = arith.addi %add3A_443, %add3A_510 : vector<16xi32>
      %gather3A_512 = tpu.vector_load_idx %arg15[%add3A_511] : memref<8192xf32, #tpu.memory_space<vmem>>[vector<16xi32>], vector<16xf32>,
      %add3A_513 = arith.addf %add3A_508, %gather3A_512 : vector<16xf32>
      %add3A_514 = arith.constant 15 : i32
      %add3A_515 = vector.broadcast %add3A_514 : i32 to vector<16xi32>
      %add3A_516 = arith.addi %add3A_443, %add3A_515 : vector<16xi32>
      %gather3A_517 = tpu.vector_load_idx %arg15[%add3A_516] : memref<8192xf32, #tpu.memory_space<vmem>>[vector<16xi32>], vector<16xf32>,
      %add3A_518 = arith.addf %add3A_513, %gather3A_517 : vector<16xf32>
      %mul3A_519 = arith.constant 16 : i32
      %mul3A_520 = arith.muli %scan3A_431, %mul3A_519 : i32
      %get3A = arith.constant 1 : i32
      %get3A_521 = arith.index_cast %get3A : i32 to index
      %get3A_522 = arith.index_cast %mul3A_520 : i32 to index
      %get3A_523 = tpu.vector_load %arg13[%get3A_521, %get3A_522] {strides = array<i32>} : memref<4x128xf32, #tpu.memory_space<vmem>>, vector<16xf32>,
      %add3A_524 = arith.addf %add3A_518, %get3A_523 : vector<16xf32>
      %mul3A_525 = arith.constant 16 : i32
      %mul3A_526 = arith.muli %scan3A_431, %mul3A_525 : i32
      %get3A_527 = arith.constant 1 : i32
      %get3A_528 = arith.index_cast %get3A_527 : i32 to index
      %get3A_529 = arith.index_cast %mul3A_526 : i32 to index
      %get3A_530 = tpu.vector_load %arg14[%get3A_528, %get3A_529] {strides = array<i32>} : memref<4x128xf32, #tpu.memory_space<vmem>>, vector<16xf32>,
      %add3A_531 = arith.addf %add3A_524, %get3A_530 : vector<16xf32>
      %swap3A = arith.index_cast %add3A_436 : i32 to index
      %swap3A_532 = tpu.vector_load %arg16[%swap3A] {strides = array<i32>} : memref<512xf32, #tpu.memory_space<vmem>>, vector<16xf32>,
      tpu.vector_store %arg16[%swap3A], %add3A_531 {strides = array<i32>} : memref<512xf32, #tpu.memory_space<vmem>>, vector<16xf32>,
      %scan3A_533 = arith.constant 0 : i32
      scf.yield %scan3A_533 : i32
    }
    %scan3A_416 = arith.constant 8 : i32
    %scan3A_417 = arith.constant 0 : i32
    %scan3A_418 = arith.constant 0 : i32
    %scan3A_419 = arith.constant 8 : i32
    %scan3A_420 = arith.addi %scan3A_418, %scan3A_419 : i32
    %scan3A_421 = arith.constant 1 : i32
    %scan3A_422 = scf.for %scan3A_431 = %scan3A_418 to %scan3A_420 step %scan3A_421 iter_args(%scan3A_432 = %scan3A_417) -> (i32)  : i32 {
      %mul3A_433 = arith.constant 16 : i32
      %mul3A_434 = arith.muli %scan3A_431, %mul3A_433 : i32
      %add3A_435 = arith.constant 256 : i32
      %add3A_436 = arith.addi %add3A_435, %mul3A_434 : i32
      %mul3A_437 = arith.constant 16 : i32
      %mul3A_438 = arith.muli %add3A_436, %mul3A_437 : i32
      %mul3A_439 = arith.constant 16 : i32
      %mul3A_440 = vector.broadcast %mul3A_439 : i32 to vector<16xi32>
      %mul3A_441 = arith.muli %iota3A, %mul3A_440 : vector<16xi32>
      %add3A_442 = vector.broadcast %mul3A_438 : i32 to vector<16xi32>
      %add3A_443 = arith.addi %add3A_442, %mul3A_441 : vector<16xi32>
      %gather3A = tpu.vector_load_idx %arg15[%add3A_443] : memref<8192xf32, #tpu.memory_space<vmem>>[vector<16xi32>], vector<16xf32>,
      %add3A_444 = arith.constant 1 : i32
      %add3A_445 = vector.broadcast %add3A_444 : i32 to vector<16xi32>
      %add3A_446 = arith.addi %add3A_443, %add3A_445 : vector<16xi32>
      %gather3A_447 = tpu.vector_load_idx %arg15[%add3A_446] : memref<8192xf32, #tpu.memory_space<vmem>>[vector<16xi32>], vector<16xf32>,
      %add3A_448 = arith.addf %gather3A, %gather3A_447 : vector<16xf32>
      %add3A_449 = arith.constant 2 : i32
      %add3A_450 = vector.broadcast %add3A_449 : i32 to vector<16xi32>
      %add3A_451 = arith.addi %add3A_443, %add3A_450 : vector<16xi32>
      %gather3A_452 = tpu.vector_load_idx %arg15[%add3A_451] : memref<8192xf32, #tpu.memory_space<vmem>>[vector<16xi32>], vector<16xf32>,
      %add3A_453 = arith.addf %add3A_448, %gather3A_452 : vector<16xf32>
      %add3A_454 = arith.constant 3 : i32
      %add3A_455 = vector.broadcast %add3A_454 : i32 to vector<16xi32>
      %add3A_456 = arith.addi %add3A_443, %add3A_455 : vector<16xi32>
      %gather3A_457 = tpu.vector_load_idx %arg15[%add3A_456] : memref<8192xf32, #tpu.memory_space<vmem>>[vector<16xi32>], vector<16xf32>,
      %add3A_458 = arith.addf %add3A_453, %gather3A_457 : vector<16xf32>
      %add3A_459 = arith.constant 4 : i32
      %add3A_460 = vector.broadcast %add3A_459 : i32 to vector<16xi32>
      %add3A_461 = arith.addi %add3A_443, %add3A_460 : vector<16xi32>
      %gather3A_462 = tpu.vector_load_idx %arg15[%add3A_461] : memref<8192xf32, #tpu.memory_space<vmem>>[vector<16xi32>], vector<16xf32>,
      %add3A_463 = arith.addf %add3A_458, %gather3A_462 : vector<16xf32>
      %add3A_464 = arith.constant 5 : i32
      %add3A_465 = vector.broadcast %add3A_464 : i32 to vector<16xi32>
      %add3A_466 = arith.addi %add3A_443, %add3A_465 : vector<16xi32>
      %gather3A_467 = tpu.vector_load_idx %arg15[%add3A_466] : memref<8192xf32, #tpu.memory_space<vmem>>[vector<16xi32>], vector<16xf32>,
      %add3A_468 = arith.addf %add3A_463, %gather3A_467 : vector<16xf32>
      %add3A_469 = arith.constant 6 : i32
      %add3A_470 = vector.broadcast %add3A_469 : i32 to vector<16xi32>
      %add3A_471 = arith.addi %add3A_443, %add3A_470 : vector<16xi32>
      %gather3A_472 = tpu.vector_load_idx %arg15[%add3A_471] : memref<8192xf32, #tpu.memory_space<vmem>>[vector<16xi32>], vector<16xf32>,
      %add3A_473 = arith.addf %add3A_468, %gather3A_472 : vector<16xf32>
      %add3A_474 = arith.constant 7 : i32
      %add3A_475 = vector.broadcast %add3A_474 : i32 to vector<16xi32>
      %add3A_476 = arith.addi %add3A_443, %add3A_475 : vector<16xi32>
      %gather3A_477 = tpu.vector_load_idx %arg15[%add3A_476] : memref<8192xf32, #tpu.memory_space<vmem>>[vector<16xi32>], vector<16xf32>,
      %add3A_478 = arith.addf %add3A_473, %gather3A_477 : vector<16xf32>
      %add3A_479 = arith.constant 8 : i32
      %add3A_480 = vector.broadcast %add3A_479 : i32 to vector<16xi32>
      %add3A_481 = arith.addi %add3A_443, %add3A_480 : vector<16xi32>
      %gather3A_482 = tpu.vector_load_idx %arg15[%add3A_481] : memref<8192xf32, #tpu.memory_space<vmem>>[vector<16xi32>], vector<16xf32>,
      %add3A_483 = arith.addf %add3A_478, %gather3A_482 : vector<16xf32>
      %add3A_484 = arith.constant 9 : i32
      %add3A_485 = vector.broadcast %add3A_484 : i32 to vector<16xi32>
      %add3A_486 = arith.addi %add3A_443, %add3A_485 : vector<16xi32>
      %gather3A_487 = tpu.vector_load_idx %arg15[%add3A_486] : memref<8192xf32, #tpu.memory_space<vmem>>[vector<16xi32>], vector<16xf32>,
      %add3A_488 = arith.addf %add3A_483, %gather3A_487 : vector<16xf32>
      %add3A_489 = arith.constant 10 : i32
      %add3A_490 = vector.broadcast %add3A_489 : i32 to vector<16xi32>
      %add3A_491 = arith.addi %add3A_443, %add3A_490 : vector<16xi32>
      %gather3A_492 = tpu.vector_load_idx %arg15[%add3A_491] : memref<8192xf32, #tpu.memory_space<vmem>>[vector<16xi32>], vector<16xf32>,
      %add3A_493 = arith.addf %add3A_488, %gather3A_492 : vector<16xf32>
      %add3A_494 = arith.constant 11 : i32
      %add3A_495 = vector.broadcast %add3A_494 : i32 to vector<16xi32>
      %add3A_496 = arith.addi %add3A_443, %add3A_495 : vector<16xi32>
      %gather3A_497 = tpu.vector_load_idx %arg15[%add3A_496] : memref<8192xf32, #tpu.memory_space<vmem>>[vector<16xi32>], vector<16xf32>,
      %add3A_498 = arith.addf %add3A_493, %gather3A_497 : vector<16xf32>
      %add3A_499 = arith.constant 12 : i32
      %add3A_500 = vector.broadcast %add3A_499 : i32 to vector<16xi32>
      %add3A_501 = arith.addi %add3A_443, %add3A_500 : vector<16xi32>
      %gather3A_502 = tpu.vector_load_idx %arg15[%add3A_501] : memref<8192xf32, #tpu.memory_space<vmem>>[vector<16xi32>], vector<16xf32>,
      %add3A_503 = arith.addf %add3A_498, %gather3A_502 : vector<16xf32>
      %add3A_504 = arith.constant 13 : i32
      %add3A_505 = vector.broadcast %add3A_504 : i32 to vector<16xi32>
      %add3A_506 = arith.addi %add3A_443, %add3A_505 : vector<16xi32>
      %gather3A_507 = tpu.vector_load_idx %arg15[%add3A_506] : memref<8192xf32, #tpu.memory_space<vmem>>[vector<16xi32>], vector<16xf32>,
      %add3A_508 = arith.addf %add3A_503, %gather3A_507 : vector<16xf32>
      %add3A_509 = arith.constant 14 : i32
      %add3A_510 = vector.broadcast %add3A_509 : i32 to vector<16xi32>
      %add3A_511 = arith.addi %add3A_443, %add3A_510 : vector<16xi32>
      %gather3A_512 = tpu.vector_load_idx %arg15[%add3A_511] : memref<8192xf32, #tpu.memory_space<vmem>>[vector<16xi32>], vector<16xf32>,
      %add3A_513 = arith.addf %add3A_508, %gather3A_512 : vector<16xf32>
      %add3A_514 = arith.constant 15 : i32
      %add3A_515 = vector.broadcast %add3A_514 : i32 to vector<16xi32>
      %add3A_516 = arith.addi %add3A_443, %add3A_515 : vector<16xi32>
      %gather3A_517 = tpu.vector_load_idx %arg15[%add3A_516] : memref<8192xf32, #tpu.memory_space<vmem>>[vector<16xi32>], vector<16xf32>,
      %add3A_518 = arith.addf %add3A_513, %gather3A_517 : vector<16xf32>
      %mul3A_519 = arith.constant 16 : i32
      %mul3A_520 = arith.muli %scan3A_431, %mul3A_519 : i32
      %get3A = arith.constant 2 : i32
      %get3A_521 = arith.index_cast %get3A : i32 to index
      %get3A_522 = arith.index_cast %mul3A_520 : i32 to index
      %get3A_523 = tpu.vector_load %arg13[%get3A_521, %get3A_522] {strides = array<i32>} : memref<4x128xf32, #tpu.memory_space<vmem>>, vector<16xf32>,
      %add3A_524 = arith.addf %add3A_518, %get3A_523 : vector<16xf32>
      %mul3A_525 = arith.constant 16 : i32
      %mul3A_526 = arith.muli %scan3A_431, %mul3A_525 : i32
      %get3A_527 = arith.constant 2 : i32
      %get3A_528 = arith.index_cast %get3A_527 : i32 to index
      %get3A_529 = arith.index_cast %mul3A_526 : i32 to index
      %get3A_530 = tpu.vector_load %arg14[%get3A_528, %get3A_529] {strides = array<i32>} : memref<4x128xf32, #tpu.memory_space<vmem>>, vector<16xf32>,
      %add3A_531 = arith.addf %add3A_524, %get3A_530 : vector<16xf32>
      %swap3A = arith.index_cast %add3A_436 : i32 to index
      %swap3A_532 = tpu.vector_load %arg16[%swap3A] {strides = array<i32>} : memref<512xf32, #tpu.memory_space<vmem>>, vector<16xf32>,
      tpu.vector_store %arg16[%swap3A], %add3A_531 {strides = array<i32>} : memref<512xf32, #tpu.memory_space<vmem>>, vector<16xf32>,
      %scan3A_533 = arith.constant 0 : i32
      scf.yield %scan3A_533 : i32
    }
    %scan3A_423 = arith.constant 8 : i32
    %scan3A_424 = arith.constant 0 : i32
    %scan3A_425 = arith.constant 0 : i32
    %scan3A_426 = arith.constant 8 : i32
    %scan3A_427 = arith.addi %scan3A_425, %scan3A_426 : i32
    %scan3A_428 = arith.constant 1 : i32
    %scan3A_429 = scf.for %scan3A_431 = %scan3A_425 to %scan3A_427 step %scan3A_428 iter_args(%scan3A_432 = %scan3A_424) -> (i32)  : i32 {
      %mul3A_433 = arith.constant 16 : i32
      %mul3A_434 = arith.muli %scan3A_431, %mul3A_433 : i32
      %add3A_435 = arith.constant 384 : i32
      %add3A_436 = arith.addi %add3A_435, %mul3A_434 : i32
      %mul3A_437 = arith.constant 16 : i32
      %mul3A_438 = arith.muli %add3A_436, %mul3A_437 : i32
      %mul3A_439 = arith.constant 16 : i32
      %mul3A_440 = vector.broadcast %mul3A_439 : i32 to vector<16xi32>
      %mul3A_441 = arith.muli %iota3A, %mul3A_440 : vector<16xi32>
      %add3A_442 = vector.broadcast %mul3A_438 : i32 to vector<16xi32>
      %add3A_443 = arith.addi %add3A_442, %mul3A_441 : vector<16xi32>
      %gather3A = tpu.vector_load_idx %arg15[%add3A_443] : memref<8192xf32, #tpu.memory_space<vmem>>[vector<16xi32>], vector<16xf32>,
      %add3A_444 = arith.constant 1 : i32
      %add3A_445 = vector.broadcast %add3A_444 : i32 to vector<16xi32>
      %add3A_446 = arith.addi %add3A_443, %add3A_445 : vector<16xi32>
      %gather3A_447 = tpu.vector_load_idx %arg15[%add3A_446] : memref<8192xf32, #tpu.memory_space<vmem>>[vector<16xi32>], vector<16xf32>,
      %add3A_448 = arith.addf %gather3A, %gather3A_447 : vector<16xf32>
      %add3A_449 = arith.constant 2 : i32
      %add3A_450 = vector.broadcast %add3A_449 : i32 to vector<16xi32>
      %add3A_451 = arith.addi %add3A_443, %add3A_450 : vector<16xi32>
      %gather3A_452 = tpu.vector_load_idx %arg15[%add3A_451] : memref<8192xf32, #tpu.memory_space<vmem>>[vector<16xi32>], vector<16xf32>,
      %add3A_453 = arith.addf %add3A_448, %gather3A_452 : vector<16xf32>
      %add3A_454 = arith.constant 3 : i32
      %add3A_455 = vector.broadcast %add3A_454 : i32 to vector<16xi32>
      %add3A_456 = arith.addi %add3A_443, %add3A_455 : vector<16xi32>
      %gather3A_457 = tpu.vector_load_idx %arg15[%add3A_456] : memref<8192xf32, #tpu.memory_space<vmem>>[vector<16xi32>], vector<16xf32>,
      %add3A_458 = arith.addf %add3A_453, %gather3A_457 : vector<16xf32>
      %add3A_459 = arith.constant 4 : i32
      %add3A_460 = vector.broadcast %add3A_459 : i32 to vector<16xi32>
      %add3A_461 = arith.addi %add3A_443, %add3A_460 : vector<16xi32>
      %gather3A_462 = tpu.vector_load_idx %arg15[%add3A_461] : memref<8192xf32, #tpu.memory_space<vmem>>[vector<16xi32>], vector<16xf32>,
      %add3A_463 = arith.addf %add3A_458, %gather3A_462 : vector<16xf32>
      %add3A_464 = arith.constant 5 : i32
      %add3A_465 = vector.broadcast %add3A_464 : i32 to vector<16xi32>
      %add3A_466 = arith.addi %add3A_443, %add3A_465 : vector<16xi32>
      %gather3A_467 = tpu.vector_load_idx %arg15[%add3A_466] : memref<8192xf32, #tpu.memory_space<vmem>>[vector<16xi32>], vector<16xf32>,
      %add3A_468 = arith.addf %add3A_463, %gather3A_467 : vector<16xf32>
      %add3A_469 = arith.constant 6 : i32
      %add3A_470 = vector.broadcast %add3A_469 : i32 to vector<16xi32>
      %add3A_471 = arith.addi %add3A_443, %add3A_470 : vector<16xi32>
      %gather3A_472 = tpu.vector_load_idx %arg15[%add3A_471] : memref<8192xf32, #tpu.memory_space<vmem>>[vector<16xi32>], vector<16xf32>,
      %add3A_473 = arith.addf %add3A_468, %gather3A_472 : vector<16xf32>
      %add3A_474 = arith.constant 7 : i32
      %add3A_475 = vector.broadcast %add3A_474 : i32 to vector<16xi32>
      %add3A_476 = arith.addi %add3A_443, %add3A_475 : vector<16xi32>
      %gather3A_477 = tpu.vector_load_idx %arg15[%add3A_476] : memref<8192xf32, #tpu.memory_space<vmem>>[vector<16xi32>], vector<16xf32>,
      %add3A_478 = arith.addf %add3A_473, %gather3A_477 : vector<16xf32>
      %add3A_479 = arith.constant 8 : i32
      %add3A_480 = vector.broadcast %add3A_479 : i32 to vector<16xi32>
      %add3A_481 = arith.addi %add3A_443, %add3A_480 : vector<16xi32>
      %gather3A_482 = tpu.vector_load_idx %arg15[%add3A_481] : memref<8192xf32, #tpu.memory_space<vmem>>[vector<16xi32>], vector<16xf32>,
      %add3A_483 = arith.addf %add3A_478, %gather3A_482 : vector<16xf32>
      %add3A_484 = arith.constant 9 : i32
      %add3A_485 = vector.broadcast %add3A_484 : i32 to vector<16xi32>
      %add3A_486 = arith.addi %add3A_443, %add3A_485 : vector<16xi32>
      %gather3A_487 = tpu.vector_load_idx %arg15[%add3A_486] : memref<8192xf32, #tpu.memory_space<vmem>>[vector<16xi32>], vector<16xf32>,
      %add3A_488 = arith.addf %add3A_483, %gather3A_487 : vector<16xf32>
      %add3A_489 = arith.constant 10 : i32
      %add3A_490 = vector.broadcast %add3A_489 : i32 to vector<16xi32>
      %add3A_491 = arith.addi %add3A_443, %add3A_490 : vector<16xi32>
      %gather3A_492 = tpu.vector_load_idx %arg15[%add3A_491] : memref<8192xf32, #tpu.memory_space<vmem>>[vector<16xi32>], vector<16xf32>,
      %add3A_493 = arith.addf %add3A_488, %gather3A_492 : vector<16xf32>
      %add3A_494 = arith.constant 11 : i32
      %add3A_495 = vector.broadcast %add3A_494 : i32 to vector<16xi32>
      %add3A_496 = arith.addi %add3A_443, %add3A_495 : vector<16xi32>
      %gather3A_497 = tpu.vector_load_idx %arg15[%add3A_496] : memref<8192xf32, #tpu.memory_space<vmem>>[vector<16xi32>], vector<16xf32>,
      %add3A_498 = arith.addf %add3A_493, %gather3A_497 : vector<16xf32>
      %add3A_499 = arith.constant 12 : i32
      %add3A_500 = vector.broadcast %add3A_499 : i32 to vector<16xi32>
      %add3A_501 = arith.addi %add3A_443, %add3A_500 : vector<16xi32>
      %gather3A_502 = tpu.vector_load_idx %arg15[%add3A_501] : memref<8192xf32, #tpu.memory_space<vmem>>[vector<16xi32>], vector<16xf32>,
      %add3A_503 = arith.addf %add3A_498, %gather3A_502 : vector<16xf32>
      %add3A_504 = arith.constant 13 : i32
      %add3A_505 = vector.broadcast %add3A_504 : i32 to vector<16xi32>
      %add3A_506 = arith.addi %add3A_443, %add3A_505 : vector<16xi32>
      %gather3A_507 = tpu.vector_load_idx %arg15[%add3A_506] : memref<8192xf32, #tpu.memory_space<vmem>>[vector<16xi32>], vector<16xf32>,
      %add3A_508 = arith.addf %add3A_503, %gather3A_507 : vector<16xf32>
      %add3A_509 = arith.constant 14 : i32
      %add3A_510 = vector.broadcast %add3A_509 : i32 to vector<16xi32>
      %add3A_511 = arith.addi %add3A_443, %add3A_510 : vector<16xi32>
      %gather3A_512 = tpu.vector_load_idx %arg15[%add3A_511] : memref<8192xf32, #tpu.memory_space<vmem>>[vector<16xi32>], vector<16xf32>,
      %add3A_513 = arith.addf %add3A_508, %gather3A_512 : vector<16xf32>
      %add3A_514 = arith.constant 15 : i32
      %add3A_515 = vector.broadcast %add3A_514 : i32 to vector<16xi32>
      %add3A_516 = arith.addi %add3A_443, %add3A_515 : vector<16xi32>
      %gather3A_517 = tpu.vector_load_idx %arg15[%add3A_516] : memref<8192xf32, #tpu.memory_space<vmem>>[vector<16xi32>], vector<16xf32>,
      %add3A_518 = arith.addf %add3A_513, %gather3A_517 : vector<16xf32>
      %mul3A_519 = arith.constant 16 : i32
      %mul3A_520 = arith.muli %scan3A_431, %mul3A_519 : i32
      %get3A = arith.constant 3 : i32
      %get3A_521 = arith.index_cast %get3A : i32 to index
      %get3A_522 = arith.index_cast %mul3A_520 : i32 to index
      %get3A_523 = tpu.vector_load %arg13[%get3A_521, %get3A_522] {strides = array<i32>} : memref<4x128xf32, #tpu.memory_space<vmem>>, vector<16xf32>,
      %add3A_524 = arith.addf %add3A_518, %get3A_523 : vector<16xf32>
      %mul3A_525 = arith.constant 16 : i32
      %mul3A_526 = arith.muli %scan3A_431, %mul3A_525 : i32
      %get3A_527 = arith.constant 3 : i32
      %get3A_528 = arith.index_cast %get3A_527 : i32 to index
      %get3A_529 = arith.index_cast %mul3A_526 : i32 to index
      %get3A_530 = tpu.vector_load %arg14[%get3A_528, %get3A_529] {strides = array<i32>} : memref<4x128xf32, #tpu.memory_space<vmem>>, vector<16xf32>,
      %add3A_531 = arith.addf %add3A_524, %get3A_530 : vector<16xf32>
      %swap3A = arith.index_cast %add3A_436 : i32 to index
      %swap3A_532 = tpu.vector_load %arg16[%swap3A] {strides = array<i32>} : memref<512xf32, #tpu.memory_space<vmem>>, vector<16xf32>,
      tpu.vector_store %arg16[%swap3A], %add3A_531 {strides = array<i32>} : memref<512xf32, #tpu.memory_space<vmem>>, vector<16xf32>,
      %scan3A_533 = arith.constant 0 : i32
      scf.yield %scan3A_533 : i32
    }
    %scan3A_430 = arith.constant 8 : i32
    "tpu.region"() ({
      %run_scoped3A_431 = tpu.sem_alloc : memref<!tpu.dma_semaphore, #tpu.memory_space<semaphore_mem>>
      %dma_start3A_432 = tpu.memref_slice %arg8[%mul3A_2] : memref<16384xf32, #tpu.memory_space<hbm>> -> memref<512xf32, #tpu.memory_space<hbm>>
      %dma_start3A_433 = tpu.memref_slice %arg8[%mul3A_2] : memref<16384xf32, #tpu.memory_space<hbm>> -> memref<512xf32, #tpu.memory_space<hbm>>
      tpu.enqueue_dma source(%arg16 : memref<512xf32, #tpu.memory_space<vmem>>) target(%dma_start3A_433 : memref<512xf32, #tpu.memory_space<hbm>>) target_semaphore(%run_scoped3A_431 : memref<!tpu.dma_semaphore, #tpu.memory_space<semaphore_mem>>)
      %dma_wait3A_434 = tpu.memref_slice %arg8[%mul3A_2] : memref<16384xf32, #tpu.memory_space<hbm>> -> memref<512xf32, #tpu.memory_space<hbm>>
      %dma_wait3A_435 = tpu.memref_slice %arg8[%mul3A_2] : memref<16384xf32, #tpu.memory_space<hbm>> -> memref<512xf32, #tpu.memory_space<hbm>>
      tpu.wait_dma2 semaphore(%run_scoped3A_431 : memref<!tpu.dma_semaphore, #tpu.memory_space<semaphore_mem>>) src(%arg16 : memref<512xf32, #tpu.memory_space<vmem>>) dst(%dma_wait3A_435 : memref<512xf32, #tpu.memory_space<hbm>>)
      tpu.yield
    }) : () -> ()
    return
  }
}

</mosaic_0001>

<sc_bundles>
// kernel: kernel.3.cloned.1.call-start
scs
__scs_entry_jumppad:
0x0: {  	(pc) =	sbr.rel $0x88, $3  }
0x1: {  	(tag) =	ssettag $0x0;
	lr =	simm.s32 $0x1  }
0x2: {  	[smem:$0x3F9B] =	sst lr;
	_ =	strace $0xD0000000  }
0x3: {  	_ = 	snop  }
0x4: {  	_ = 	snop  }
0x5: {  	_ = 	snop  }
0x6: {  	_ = 	snop  }
0x7: {  	_ = 	snop  }
__scs_overlays_trampoline_lowered:
0x8: {  	[smem:$0x3FAA] =	sst s0  }
0x9: {  	[smem:$0x3FAB] =	sst s1  }
0xa: {  	[smem:$0x3FAC] =	sst s2  }
0xb: {  	[smem:$0x3FAD] =	sst s3  }
0xc: {  	[smem:$0x3FAE] =	sst s4  }
0xd: {  	[smem:$0x3FAF] =	sst s5  }
0xe: {  	[smem:$0x3FB0] =	sst s6  }
0xf: {  	[smem:$0x3FB1] =	sst s7  }
0x10: {  	[smem:$0x3FB2] =	sst s8  }
0x11: {  	[smem:$0x3FB3] =	sst s9;
	s0 =	simm.s32 @!p0 $0x0  }
0x12: {  	s1 =	sld [smem:$0x3F99];
	s0 =	simm.s32 @p0 $0x1  }
0x13: {  	[smem:$0x3FB4] =	sst s0;
	s0 =	simm.s32 @!p1 $0x0  }
0x14: {  	s2 =	sld [smem:$0x3F98];
	s0 =	simm.s32 @p1 $0x1  }
0x15: {  	[smem:$0x3FB5] =	sst s0;
	s0 =	simm.s32 @!p2 $0x0  }
0x16: {  	s3 =	sld [smem:$0x3FDB];
	s0 =	simm.s32 @p2 $0x1  }
0x17: {  	s4 =	simm.s32 $0x1BF5;
	[smem:$0x3FB7] =	sst s0  }
0x18: {  	s0 =	sld [smem:$0x3F9A];
	_ =	swait.ge [sflag:s4], $0x0  }
0x19: {  	s7 =	sld [smem:$0x3F9B]  }
0x1a: {  	s8 =	sadd.s32 $0xFFFFE003, lr  }
0x1b: {  	s9 =	sadd.s32 $0xFFFFFEF7, lr;
	s5 =	simm.s32 $0xFFFFFFFF;
	p2 =	slt.u32 s8, $0xFFFFF086  }
0x1c: {  	p1 =	slt.u32 s9, $0xF7A;
	s5 =	simm.s32 @!p2 $0x0  }
0x1d: {  	s5 =	simm.s32 @p1 $0x1;
	p0 =	seq.s32 s7, s2  }
0x1e: {  	s7 =	smul.u32 @!p0 $0xF7A, s2;
	p2 =	seq.s32 @!p0 s5, $0x0  }
0x1f: {  	s9 =	smul.u32 $0xF7A, s1;
	s8 =	simm.s32 @!p0 $0x1BF5;
	p2 =	por !p2, p0  }
0x20: {  	[sflag:s8] =	ssyncset.s32 @!p0 $0xFFFFF086;
	s6 =	sadd.s32 @!p0 s3, s7;
	s7 =	simm.s32 @!p0 $0x108  }
0x21: {  	s3 =	sadd.s32 s3, s9;
	s6 =	sadd.s32 @!p0 $0x88, s6;
	s7 =	simm.s32 @p2 $0x1082  }
0x22: {  	[simem:s7], [sflag:s8] =	dma.local @!p0 [hbm:s6], $0xF7A  }
0x23: {  	s9 =	sor.u32 $0xD0000000, s2;
	s6 =	simm.s32 $0x108;
	_ =	swait.ge @!p0 [sflag:s8], $0x0  }
0x24: {  	s3 =	sadd.s32 $0x88, s3;
	s6 =	simm.s32 @!p1 $0x1082;
	[sflag:s4] =	ssyncset.s32 $0xFFFFF086  }
0x25: {  	[simem:s6], [sflag:s4] =	dma.local [hbm:s3], $0xF7A  }
0x26: {  	[smem:$0x3F9B] =	sst s1;
	(tag) =	ssettag s2;
	_ =	strace s9  }
0x27: {  	s1 =	sld [smem:$0x3FAB]  }
0x28: {  	s2 =	sld [smem:$0x3FAC]  }
0x29: {  	s4 =	sld [smem:$0x3FAE]  }
0x2a: {  	p0 =	seq.s32 s5, $0x0;
	s5 =	sld [smem:$0x3FAF]  }
0x2b: {  	s6 =	sld [smem:$0x3FB0]  }
0x2c: {  	s7 =	sld [smem:$0x3FB1]  }
0x2d: {  	s3 =	simm.s32 $0x108;
	s8 =	sld [smem:$0x3FB2]  }
0x2e: {  	s3 =	simm.s32 @!p0 $0x1082;
	s9 =	sld [smem:$0x3FB3]  }
0x2f: {  	lr =	sadd.s32 s0, s3;
	s0 =	sld [smem:$0x3FAA]  }
0x30: {  	s3 =	sld [smem:$0x3FAD]  }
0x31: {  	[smem:$0x3FB6] =	sst s10  }
0x32: {  	s10 =	sld [smem:$0x3FB4];
	_ =	sdelay $0x3  }
0x33: {  	p0 =	seq.s32 s10, $0x1;
	s10 =	sld [smem:$0x3FB6];
	_ =	sdelay $0x3  }
0x34: {  	[smem:$0x3FB6] =	sst s10  }
0x35: {  	s10 =	sld [smem:$0x3FB5];
	_ =	sdelay $0x3  }
0x36: {  	p1 =	seq.s32 s10, $0x1;
	s10 =	sld [smem:$0x3FB6];
	_ =	sdelay $0x3  }
0x37: {  	[smem:$0x3FB6] =	sst s10  }
0x38: {  	s10 =	sld [smem:$0x3FB7]  }
0x39: {  	_ = 	snop;
	(pc) =	sbr.ind lr, $3  }
0x3a: {  	_ = 	snop  }
0x3b: {  	_ = 	snop  }
0x3c: {  	p2 =	seq.s32 s10, $0x1;
	s10 =	sld [smem:$0x3FB6]  }
0x3d: {  	_ =	shalt  }
0x3e: {  	_ =	shalt  }
0x3f: {  	_ =	shalt  }
0x40: {  	_ =	shalt  }
0x41: {  	_ =	shalt  }
0x42: {  	_ =	shalt  }
0x43: {  	_ =	shalt  }
0x44: {  	_ =	shalt  }
0x45: {  	_ =	shalt  }
0x46: {  	_ =	shalt  }
0x47: {  	_ =	shalt  }
0x48: {  	_ =	shalt  }
0x49: {  	_ =	shalt  }
0x4a: {  	_ =	shalt  }
0x4b: {  	_ =	shalt  }
0x4c: {  	_ =	shalt  }
0x4d: {  	_ =	shalt  }
0x4e: {  	_ =	shalt  }
0x4f: {  	_ =	shalt  }
0x50: {  	_ =	shalt  }
0x51: {  	_ =	shalt  }
0x52: {  	_ =	shalt  }
0x53: {  	_ =	shalt  }
0x54: {  	_ =	shalt  }
0x55: {  	_ =	shalt  }
0x56: {  	_ =	shalt  }
0x57: {  	_ =	shalt  }
0x58: {  	_ =	shalt  }
0x59: {  	_ =	shalt  }
0x5a: {  	_ =	shalt  }
0x5b: {  	_ =	shalt  }
0x5c: {  	_ =	shalt  }
0x5d: {  	_ =	shalt  }
0x5e: {  	_ =	shalt  }
0x5f: {  	_ =	shalt  }
0x60: {  	_ =	shalt  }
0x61: {  	_ =	shalt  }
0x62: {  	_ =	shalt  }
0x63: {  	_ =	shalt  }
0x64: {  	_ =	shalt  }
0x65: {  	_ =	shalt  }
0x66: {  	_ =	shalt  }
0x67: {  	_ =	shalt  }
0x68: {  	_ =	shalt  }
0x69: {  	_ =	shalt  }
0x6a: {  	_ =	shalt  }
0x6b: {  	_ =	shalt  }
0x6c: {  	_ =	shalt  }
0x6d: {  	_ =	shalt  }
0x6e: {  	_ =	shalt  }
0x6f: {  	_ =	shalt  }
0x70: {  	_ =	shalt  }
0x71: {  	_ =	shalt  }
0x72: {  	_ =	shalt  }
0x73: {  	_ =	shalt  }
0x74: {  	_ =	shalt  }
0x75: {  	_ =	shalt  }
0x76: {  	_ =	shalt  }
0x77: {  	_ =	shalt  }
0x78: {  	_ =	shalt  }
0x79: {  	_ =	shalt  }
0x7a: {  	_ =	shalt  }
0x7b: {  	_ =	shalt  }
0x7c: {  	_ =	shalt  }
0x7d: {  	_ =	shalt  }
0x7e: {  	_ =	shalt  }
0x7f: {  	_ =	shalt  }
0x80: {  	_ =	shalt  }
0x81: {  	_ =	shalt  }
0x82: {  	_ =	shalt  }
0x83: {  	_ =	shalt  }
0x84: {  	_ =	shalt  }
0x85: {  	_ =	shalt  }
0x86: {  	_ =	shalt  }
0x87: {  	_ =	shalt  }
.Lfunc_end0:
.L_simem_size_0:
called_computation_lowered:
.L_overlay_start_0:
0x88: {  	s2 =	sld [smem:$0x3FD9]  }
0x89: {  	s3 =	sld [smem:$0x3FFE];
	_ =	sdelay $0x1  }
0x8a: {  	s1 =	srdreg.scid  }
0x8b: {  	s0 =	sand.u32 $0x1, s1  }
0x8c: {  	s17 =	sshll.u32 s0, $0xA;
	s2 =	sadd.s32 s3, s2  }
0x8d: {  	s2 =	sadd.s32 s2, s17  }
0x8e: {  	[smem:$0x3FC2] =	sst s2  }
0x8f: {  	_ = 	snop  }
0x90: {  	s2 =	sld [smem:$0x3FC9]  }
0x91: {  	s18 =	sld [smem:$0x3FC8]  }
0x92: {  	s4 =	sld [smem:$0x3FD0];
	(tm) =	ssettm $0x1  }
0x93: {  	s5 =	sld [smem:$0x3FFB];
	_ =	sdelay $0x3  }
0x94: {  	_ =	strace s5  }
0x95: {  	s5 =	sld [smem:$0x3FFC];
	_ =	sdelay $0x3  }
0x96: {  	_ =	strace s5  }
0x97: {  	s5 =	sld [smem:$0x3FFD];
	_ =	sdelay $0x3  }
0x98: {  	_ =	strace s5  }
0x99: {  	_ =	strace $0x8FFFFFFF  }
0x9a: {  	s19 =	sld [smem:$0x3FDB];
	_ =	sdelay $0x1  }
0x9b: {  	s6 =	simm.s32 $_scs_section_size  }
0x9c: {  	s7 =	simm.s32 $_size__tile_overlayer_lowered;
	s8 =	simm.s32 $_tile_overlayer_lowered  }
0x9d: {  	s22 =	simm.s32 $0x1BFF;
	s21 =	sshll.u32 s8, $0x1;
	s5 =	sadd.s32 s6, s19  }
0x9e: {  	s9 =	simm.s32 $0x0;
	s20 =	sshll.u32 s7, $0x1;
	s7 =	sadd.s32 s21, s5  }
0x9f: {  	[timem:s9], [sflag:s22] =	dma.local [hbm:s7], s20  }
0xa0: {  	_ =	swait.ge [sflag:s22], s20  }
0xa1: {  	s6 =	ssub.s32 $0x0, s20;
	[sflag:s22] =	ssyncset.done $0x0  }
0xa2: {  	[sflag:s22] =	ssyncadd.s32 s6;
	_ =	sdelay $0x1  }
0xa3: {  	s23 =	simm.s32 $0x1B8B  }
0xa4: {  	_ =	swait.ge [sflag:s23], $0x1  }
0xa5: {  	[sflag:s23] =	ssyncset.done $0x0  }
0xa6: {  	s25 =	simm.s32 $0x1B8E;
	s24 =	sld [smem:$0x3FFE];
	[sflag:s23] =	ssyncadd.s32 $0xFFFFFFFF  }
0xa7: {  	s26 =	simm.s32 $execute0_lowered;
	[smem:$0x3FD2] =	sst s25  }
0xa8: {  	s7 =	sshll.u32 s26, $0x1;
	_ =	strace $0x80000046;
	[dreg:$0x1] =	wrdreg $0xFFFFFFFF  }
0xa9: {  	s28 =	simm.s32 $_size_execute0_lowered;
	s5 =	sadd.s32 s5, s7;
	[dreg:$0x0] =	wrdreg $0x0  }
0xaa: {  	s7 =	sshll.u32 s28, $0x1;
	[dreg:$0x2] =	wrdreg s5  }
0xab: {  	[dreg:$0x3] =	wrdreg s7  }
0xac: {  	[dreg:$0x4] =	wrdreg $0xC0  }
0xad: {  	_ =	task [dreg:s9], $0x5FFFF  }
0xae: {  	[dreg:$0x1] =	wrdreg $0xFFFFFFFF  }
0xaf: {  	[dreg:$0x0] =	wrdreg $0x60  }
0xb0: {  	[dreg:$0x2] =	wrdreg s2  }
0xb1: {  	[dreg:$0x3] =	wrdreg s18  }
0xb2: {  	[dreg:$0x4] =	wrdreg s24  }
0xb3: {  	[dreg:$0x5] =	wrdreg s4  }
0xb4: {  	[dreg:$0x6] =	wrdreg $0x9  }
0xb5: {  	_ =	task.clear_ibuf [dreg:s9], $0x7FFFF;
	_ =	strace $0x90000046  }
0xb6: {  	s29 =	simm.s32 $0x9;
	_ =	strace $0x80000048  }
0xb7: {  	_ =	swait.ge [sflag:s29], $0x1  }
0xb8: {  	[sflag:s29] =	ssyncadd.s32 $0xFFFFFFFF  }
0xb9: {  	_ =	strace $0x90000048  }
0xba: {  	_ =	sfence  }
0xbb: {  	s30 =	sld [smem:$0x0];
	_ =	sdelay $0x2  }
0xbc: {  	s31 =	sshll.u32 s1, $0xD;
	s1 =	sshrl.u32 s1, $0x2  }
0xbd: {  	s3 =	sand.u32 $0x4000, s31;
	s1 =	sadd.s32 s1, s30  }
0xbe: {  	s0 =	sor.u32 s3, s0;
	s1 =	sshll.u32 s1, $0x11  }
0xbf: {  	s0 =	sor.u32 s1, s0  }
0xc0: {  	s0 =	sadd.s32 $0x8F2B, s0  }
0xc1: {  	[sflag:s0] =	ssyncadd.remote.s32 $0x1  }
0xc2: {  	_ =	sfence.sel $0xFFFF  }
0xc3: {  	[dreg:$0x0] =	wrdreg $0xFFFFFFFF;
	(pc) =	sbr.abs _section_cstart, $3  }
0xc4: {  	[dreg:$0x1] =	wrdreg $0xFFFFFFFF  }
0xc5: {  	_ =	task.clear_ibuf [dreg:s9], $0x2FFFF;
	_ =	strace $0x9FFFFFFF  }
0xc6: {  	(tm) =	ssettm $0x7FFFFFFF  }
0xc7: {  	_ =	shalt  }
tec
execute0_lowered:
.L_overlay_start_1:
0x0: {  	(tag) =	ssettag $0x1  }
0x1: {  	s0 =	rddreg [dreg:$0x0]  }
0x2: {  	s3 =	rddreg [dreg:$0x1]  }
0x3: {  	s1 =	rddreg [dreg:$0x2]  }
0x4: {  	s15 =	rddreg [dreg:$0x3]  }
0x5: {  	s2 =	simm.s32 $0x0;
	s6 =	srdreg.scid;
	s8 =	stileid.u32  }
0x6: {  	s18 =	simm.s32 $0x200;
	s19 =	simm.s32 $0x80;
	s20 =	simm.s32 $0x280  }
0x7: {  	s21 =	simm.s32 $0x100;
	s22 =	simm.s32 $0x300;
	s23 =	simm.s32 $0x180  }
0x8: {  	s24 =	simm.s32 $0x380;
	s25 =	simm.s32 $0x1;
	s26 =	simm.s32 $0x10800  }
0x9: {  	s29 =	simm.s32 $0x0;
	[smem:$0x7FF] =	sst s2;
	s4 =	sadd.s32 $0x16E3600, s1  }
0xa: {  	v0 =	vlaneseq.u32;
	s5 =	sadd.s32 $0xF42400, s1;
	s6 =	sand.u32 $0x1, s6;
	s8 =	sshll.u32 s8, $0x7  }
0xb: {  	v0 =	vmul.u32 $0x10, v0;
	_ =	strace $0x80000047;
	s7 =	ssub.s32 $0x2, s6;
	s9 =	sshll.u32 s6, $0x6  }
0xc: {  	s6 =	sadd.s32 $0x1EA00, s1;
	s10 =	sshrl.u32 s7, $0x1;
	s16 =	sor.u32 s9, s8  }
0xd: {  	v1 =	vor.u32 $0x1, v0;
	v2 =	vor.u32 $0x2, v0;
	v3 =	vor.u32 $0x3, v0;
	s17 =	ssub.s32 s7, s10;
	s7 =	sadd.s32 s0, s16;
	s31 =	sor.u32 $0x10, s16  }
0xe: {  	v4 =	vor.u32 $0x4, v0;
	v5 =	vor.u32 $0x5, v0;
	v6 =	vor.u32 $0x6, v0;
	s8 =	sadd.s32 s3, s16;
	s12 =	sor.u32 $0x20, s16;
	s14 =	sor.u32 $0x30, s16  }
0xf: {  	v7 =	vor.u32 $0x7, v0;
	v8 =	vor.u32 $0x8, v0;
	v9 =	vor.u32 $0x9, v0;
	s15 =	sadd.s32 s15, s16;
	s9 =	sadd.s32 s0, s31;
	s10 =	sadd.s32 s3, s31  }
0x10: {  	v10 =	vor.u32 $0xA, v0;
	v11 =	vor.u32 $0xB, v0;
	v12 =	vor.u32 $0xC, v0;
	s11 =	sadd.s32 s0, s12;
	s12 =	sadd.s32 s3, s12;
	s13 =	sadd.s32 s0, s14  }
0x11: {  	v13 =	vor.u32 $0xD, v0;
	v14 =	vor.u32 $0xE, v0;
	v15 =	vor.u32 $0xF, v0;
	s14 =	sadd.s32 s3, s14;
	s16 =	smax.u32 s17, $0x1;
	s17 =	simm.s32 $0x2  }
.LBB2_1:
0x12: {  	[tilespmem:s2], [sflag:$0x2] =	stream.linear.gather [hbm4b:s7+s2], $0x80, $0x38;
	[tilespmem:$0x12A00] =	vst v63  }
0x13: {  	_ =	swait.ge [sflag:s17], $0x80  }
0x14: {  	[sflag:s17] =	ssyncset.done $0x0  }
0x15: {  	[sflag:s17] =	ssyncadd.s32 $0xFFFFFF80  }
0x16: {  	[tilespmem:s18], [sflag:$0x2] =	stream.linear.gather [hbm4b:s8+s2], $0x80, $0x38;
	[tilespmem:$0x12A00] =	vst v63  }
0x17: {  	_ =	swait.ge [sflag:s17], $0x80  }
0x18: {  	[sflag:s17] =	ssyncset.done $0x0  }
0x19: {  	[sflag:s17] =	ssyncadd.s32 $0xFFFFFF80  }
0x1a: {  	[tilespmem:s19], [sflag:$0x2] =	stream.linear.gather [hbm4b:s9+s2], $0x80, $0x38;
	[tilespmem:$0x12A00] =	vst v63  }
0x1b: {  	_ =	swait.ge [sflag:s17], $0x80  }
0x1c: {  	[sflag:s17] =	ssyncset.done $0x0  }
0x1d: {  	[sflag:s17] =	ssyncadd.s32 $0xFFFFFF80  }
0x1e: {  	[tilespmem:s20], [sflag:$0x2] =	stream.linear.gather [hbm4b:s10+s2], $0x80, $0x38;
	[tilespmem:$0x12A00] =	vst v63  }
0x1f: {  	_ =	swait.ge [sflag:s17], $0x80  }
0x20: {  	[sflag:s17] =	ssyncset.done $0x0  }
0x21: {  	[sflag:s17] =	ssyncadd.s32 $0xFFFFFF80  }
0x22: {  	[tilespmem:s21], [sflag:$0x2] =	stream.linear.gather [hbm4b:s11+s2], $0x80, $0x38;
	[tilespmem:$0x12A00] =	vst v63  }
0x23: {  	_ =	swait.ge [sflag:s17], $0x80  }
0x24: {  	[sflag:s17] =	ssyncset.done $0x0  }
0x25: {  	[sflag:s17] =	ssyncadd.s32 $0xFFFFFF80  }
0x26: {  	[tilespmem:s22], [sflag:$0x2] =	stream.linear.gather [hbm4b:s12+s2], $0x80, $0x38;
	[tilespmem:$0x12A00] =	vst v63  }
0x27: {  	_ =	swait.ge [sflag:s17], $0x80  }
0x28: {  	[sflag:s17] =	ssyncset.done $0x0  }
0x29: {  	[sflag:s17] =	ssyncadd.s32 $0xFFFFFF80  }
0x2a: {  	[tilespmem:s23], [sflag:$0x2] =	stream.linear.gather [hbm4b:s13+s2], $0x80, $0x38;
	[tilespmem:$0x12A00] =	vst v63  }
0x2b: {  	_ =	swait.ge [sflag:s17], $0x80  }
0x2c: {  	[sflag:s17] =	ssyncset.done $0x0  }
0x2d: {  	[sflag:s17] =	ssyncadd.s32 $0xFFFFFF80  }
0x2e: {  	[tilespmem:s24], [sflag:$0x2] =	stream.linear.gather [hbm4b:s14+s2], $0x80, $0x38;
	[tilespmem:$0x12A00] =	vst v63  }
0x2f: {  	_ =	swait.ge [sflag:s17], $0x80  }
0x30: {  	[sflag:s17] =	ssyncset.done $0x0  }
0x31: {  	s0 =	simm.s32 $0x400;
	[sflag:s17] =	ssyncadd.s32 $0xFFFFFF80  }
0x32: {  	[tilespmem:s0], [sflag:$0x1] =	stream.indirect.gather [hbm4b:s4+s19], $0x40, s2, s19, $0xb8;
	[tilespmem:$0x12A00] =	vst v63  }
0x33: {  	s31 =	simm.s32 $0x8400  }
0x34: {  	[tilespmem:s31], [sflag:$0x1] =	stream.indirect.gather [hbm4b:s5+s19], $0x40, s18, s19, $0xb8;
	[tilespmem:$0x12A00] =	vst v63  }
0x35: {  	s3 =	simm.s32 $0x10400  }
0x36: {  	[tilespmem:s3], [sflag:$0x1] =	stream.indirect.gather [hbm4b:s6+s19], $0x1, s2, s19, $0xb8;
	[tilespmem:$0x12A00] =	vst v63  }
0x37: {  	s30 =	simm.s32 $0x10600  }
0x38: {  	[tilespmem:s30], [sflag:$0x1] =	stream.indirect.gather [hbm4b:s1+s19], $0x1, s18, s19, $0xb8;
	[tilespmem:$0x12A00] =	vst v63  }
0x39: {  	s31 =	simm.s32 $0x2400  }
0x3a: {  	[tilespmem:s31], [sflag:$0x1] =	stream.indirect.gather [hbm4b:s4+s19], $0x40, s19, s19, $0xb8;
	[tilespmem:$0x12A00] =	vst v63  }
0x3b: {  	s3 =	simm.s32 $0xA400  }
0x3c: {  	[tilespmem:s3], [sflag:$0x1] =	stream.indirect.gather [hbm4b:s5+s19], $0x40, s20, s19, $0xb8;
	[tilespmem:$0x12A00] =	vst v63  }
0x3d: {  	s30 =	simm.s32 $0x10480  }
0x3e: {  	[tilespmem:s30], [sflag:$0x1] =	stream.indirect.gather [hbm4b:s6+s19], $0x1, s19, s19, $0xb8;
	[tilespmem:$0x12A00] =	vst v63  }
0x3f: {  	s31 =	simm.s32 $0x10680  }
0x40: {  	[tilespmem:s31], [sflag:$0x1] =	stream.indirect.gather [hbm4b:s1+s19], $0x1, s20, s19, $0xb8;
	[tilespmem:$0x12A00] =	vst v63  }
0x41: {  	s3 =	simm.s32 $0x4400  }
0x42: {  	[tilespmem:s3], [sflag:$0x1] =	stream.indirect.gather [hbm4b:s4+s19], $0x40, s21, s19, $0xb8;
	[tilespmem:$0x12A00] =	vst v63  }
0x43: {  	s30 =	simm.s32 $0xC400  }
0x44: {  	[tilespmem:s30], [sflag:$0x1] =	stream.indirect.gather [hbm4b:s5+s19], $0x40, s22, s19, $0xb8;
	[tilespmem:$0x12A00] =	vst v63  }
0x45: {  	s31 =	simm.s32 $0x10500  }
0x46: {  	[tilespmem:s31], [sflag:$0x1] =	stream.indirect.gather [hbm4b:s6+s19], $0x1, s21, s19, $0xb8;
	[tilespmem:$0x12A00] =	vst v63  }
0x47: {  	s3 =	simm.s32 $0x10700  }
0x48: {  	[tilespmem:s3], [sflag:$0x1] =	stream.indirect.gather [hbm4b:s1+s19], $0x1, s22, s19, $0xb8;
	[tilespmem:$0x12A00] =	vst v63  }
0x49: {  	s30 =	simm.s32 $0x6400  }
0x4a: {  	[tilespmem:s30], [sflag:$0x1] =	stream.indirect.gather [hbm4b:s4+s19], $0x40, s23, s19, $0xb8;
	[tilespmem:$0x12A00] =	vst v63  }
0x4b: {  	s31 =	simm.s32 $0xE400  }
0x4c: {  	[tilespmem:s31], [sflag:$0x1] =	stream.indirect.gather [hbm4b:s5+s19], $0x40, s24, s19, $0xb8;
	[tilespmem:$0x12A00] =	vst v63  }
0x4d: {  	s3 =	simm.s32 $0x10580  }
0x4e: {  	[tilespmem:s3], [sflag:$0x1] =	stream.indirect.gather [hbm4b:s6+s19], $0x1, s23, s19, $0xb8;
	[tilespmem:$0x12A00] =	vst v63  }
0x4f: {  	s30 =	simm.s32 $0x10780  }
0x50: {  	[tilespmem:s30], [sflag:$0x1] =	stream.indirect.gather [hbm4b:s1+s19], $0x1, s24, s19, $0xb8;
	[tilespmem:$0x12A00] =	vst v63  }
0x51: {  	_ =	swait.ge [sflag:s25], $0x2000  }
0x52: {  	[sflag:s25] =	ssyncset.done $0x0  }
0x53: {  	[sflag:s25] =	ssyncadd.s32 $0xFFFFE000  }
0x54: {  	_ =	swait.ge [sflag:s25], $0x2000  }
0x55: {  	[sflag:s25] =	ssyncset.done $0x0  }
0x56: {  	[sflag:s25] =	ssyncadd.s32 $0xFFFFE000  }
0x57: {  	_ =	swait.ge [sflag:s25], $0x80  }
0x58: {  	[sflag:s25] =	ssyncset.done $0x0  }
0x59: {  	[sflag:s25] =	ssyncadd.s32 $0xFFFFFF80  }
0x5a: {  	_ =	swait.ge [sflag:s25], $0x80  }
0x5b: {  	[sflag:s25] =	ssyncset.done $0x0  }
0x5c: {  	[sflag:s25] =	ssyncadd.s32 $0xFFFFFF80  }
0x5d: {  	_ =	swait.ge [sflag:s25], $0x2000  }
0x5e: {  	[sflag:s25] =	ssyncset.done $0x0  }
0x5f: {  	[sflag:s25] =	ssyncadd.s32 $0xFFFFE000  }
0x60: {  	_ =	swait.ge [sflag:s25], $0x2000  }
0x61: {  	[sflag:s25] =	ssyncset.done $0x0  }
0x62: {  	[sflag:s25] =	ssyncadd.s32 $0xFFFFE000  }
0x63: {  	_ =	swait.ge [sflag:s25], $0x80  }
0x64: {  	[sflag:s25] =	ssyncset.done $0x0  }
0x65: {  	[sflag:s25] =	ssyncadd.s32 $0xFFFFFF80  }
0x66: {  	_ =	swait.ge [sflag:s25], $0x80  }
0x67: {  	[sflag:s25] =	ssyncset.done $0x0  }
0x68: {  	[sflag:s25] =	ssyncadd.s32 $0xFFFFFF80  }
0x69: {  	_ =	swait.ge [sflag:s25], $0x2000  }
0x6a: {  	[sflag:s25] =	ssyncset.done $0x0  }
0x6b: {  	[sflag:s25] =	ssyncadd.s32 $0xFFFFE000  }
0x6c: {  	_ =	swait.ge [sflag:s25], $0x2000  }
0x6d: {  	[sflag:s25] =	ssyncset.done $0x0  }
0x6e: {  	[sflag:s25] =	ssyncadd.s32 $0xFFFFE000  }
0x6f: {  	_ =	swait.ge [sflag:s25], $0x80  }
0x70: {  	[sflag:s25] =	ssyncset.done $0x0  }
0x71: {  	[sflag:s25] =	ssyncadd.s32 $0xFFFFFF80  }
0x72: {  	_ =	swait.ge [sflag:s25], $0x80  }
0x73: {  	[sflag:s25] =	ssyncset.done $0x0  }
0x74: {  	[sflag:s25] =	ssyncadd.s32 $0xFFFFFF80  }
0x75: {  	_ =	swait.ge [sflag:s25], $0x2000  }
0x76: {  	[sflag:s25] =	ssyncset.done $0x0  }
0x77: {  	[sflag:s25] =	ssyncadd.s32 $0xFFFFE000  }
0x78: {  	_ =	swait.ge [sflag:s25], $0x2000  }
0x79: {  	[sflag:s25] =	ssyncset.done $0x0  }
0x7a: {  	[sflag:s25] =	ssyncadd.s32 $0xFFFFE000  }
0x7b: {  	_ =	swait.ge [sflag:s25], $0x80  }
0x7c: {  	[sflag:s25] =	ssyncset.done $0x0  }
0x7d: {  	[sflag:s25] =	ssyncadd.s32 $0xFFFFFF80  }
0x7e: {  	_ =	swait.ge [sflag:s25], $0x80  }
0x7f: {  	[sflag:s25] =	ssyncset.done $0x0  }
0x80: {  	s31 =	simm.s32 $0x0;
	[sflag:s25] =	ssyncadd.s32 $0xFFFFFF80  }
0x81: {  	v16 =	vld [tilespmem:s31+$0x8400]  }
0x82: {  	v17 =	vld [tilespmem:s31+$0x400]  }
0x83: {  	v18 =	vld [tilespmem:s31+$0x410]  }
0x84: {  	v19 =	vld [tilespmem:s31+$0x8410]  }
0x85: {  	v20 =	vld [tilespmem:s31+$0x420]  }
0x86: {  	v21 =	vld [tilespmem:s31+$0x8420]  }
0x87: {  	v22 =	vld [tilespmem:s31+$0x430]  }
0x88: {  	v23 =	vld [tilespmem:s31+$0x8430]  }
0x89: {  	v16 =	vmul.f32 v16, v17;
	v17 =	vmul.f32 v19, v18;
	_ =	sdelay $0x1  }
0x8a: {  	v16 =	vadd.f32 v17, v16;
	v17 =	vmul.f32 v21, v20;
	_ =	sdelay $0x1  }
0x8b: {  	v16 =	vadd.f32 v17, v16;
	v17 =	vmul.f32 v23, v22;
	_ =	sdelay $0x1  }
0x8c: {  	v16 =	vadd.f32 v17, v16;
	_ =	sdelay $0x1  }
0x8d: {  	s28 =	simm.s32 $0x40;
	[tilespmem:s26+$0x0] =	vst v16  }
0x8e: {  	v16 =	vld [tilespmem:s28+$0x8400]  }
0x8f: {  	v17 =	vld [tilespmem:s28+$0x400]  }
0x90: {  	s0 =	simm.s32 $0x10800;
	s3 =	simm.s32 $0x200;
	v18 =	vld [tilespmem:s28+$0x410]  }
.LBB2_2:
0x91: {  	p0 =	sne.s32 s3, $0x7F00;
	v19 =	vld [tilespmem:s28+$0x8410]  }
0x92: {  	v20 =	vld [tilespmem:s28+$0x420]  }
0x93: {  	v21 =	vld [tilespmem:s28+$0x8420]  }
0x94: {  	v22 =	vld [tilespmem:s28+$0x430]  }
0x95: {  	v23 =	vld [tilespmem:s28+$0x8430]  }
0x96: {  	v16 =	vmul.f32 v16, v17;
	v17 =	vmul.f32 v19, v18;
	_ =	sdelay $0x1  }
0x97: {  	v16 =	vadd.f32 v17, v16;
	v17 =	vmul.f32 v21, v20;
	_ =	sdelay $0x1  }
0x98: {  	v16 =	vadd.f32 v17, v16;
	v17 =	vmul.f32 v23, v22;
	_ =	sdelay $0x1  }
0x99: {  	v16 =	vadd.f32 v17, v16  }
.Ltmp0:
0x9a: {  	s0 =	sadd.s32 $0x10, s0;
	(pc) =	sbr.rel @p0 .LBB2_2-.Ltmp0, $4  }
0x9b: {  	s28 =	sshra.s32 s3, $0x2;
	[tilespmem:s0+$0x0] =	vst v16  }
0x9c: {  	v16 =	vld [tilespmem:s28+$0x8400]  }
0x9d: {  	v17 =	vld [tilespmem:s28+$0x400]  }
0x9e: {  	s3 =	sadd.s32 $0x100, s3;
	v18 =	vld [tilespmem:s28+$0x410]  }
0x9f: {  	v19 =	vld [tilespmem:s28+$0x8410]  }
0xa0: {  	v20 =	vld [tilespmem:s28+$0x420]  }
0xa1: {  	v21 =	vld [tilespmem:s28+$0x8420]  }
0xa2: {  	v22 =	vld [tilespmem:s28+$0x430]  }
0xa3: {  	v23 =	vld [tilespmem:s28+$0x8430]  }
0xa4: {  	v16 =	vmul.f32 v16, v17;
	v17 =	vmul.f32 v19, v18;
	_ =	sdelay $0x1  }
0xa5: {  	v16 =	vadd.f32 v17, v16;
	v17 =	vmul.f32 v21, v20;
	_ =	sdelay $0x1  }
0xa6: {  	v16 =	vadd.f32 v17, v16;
	v17 =	vmul.f32 v23, v22;
	_ =	sdelay $0x1  }
0xa7: {  	v16 =	vadd.f32 v17, v16  }
0xa8: {  	s0 =	sadd.s32 $0x10, s0  }
0xa9: {  	[tilespmem:s0+$0x0] =	vst v16;
	s0 =	simm.s32 $0x0  }
0xaa: {  	v16 =	vld [tilespmem:s0+$0xA400]  }
0xab: {  	v17 =	vld [tilespmem:s0+$0x2400]  }
0xac: {  	v18 =	vld [tilespmem:s0+$0x2410]  }
0xad: {  	v19 =	vld [tilespmem:s0+$0xA410]  }
0xae: {  	v20 =	vld [tilespmem:s0+$0x2420]  }
0xaf: {  	v61 =	vld [tilespmem:s0+$0xA420]  }
0xb0: {  	v62 =	vld [tilespmem:s0+$0x2430]  }
0xb1: {  	v63 =	vld [tilespmem:s0+$0xA430]  }
0xb2: {  	v16 =	vmul.f32 v16, v17;
	v17 =	vmul.f32 v19, v18;
	_ =	sdelay $0x1  }
0xb3: {  	v16 =	vadd.f32 v17, v16;
	v17 =	vmul.f32 v61, v20;
	_ =	sdelay $0x1  }
0xb4: {  	v16 =	vadd.f32 v17, v16;
	v17 =	vmul.f32 v63, v62;
	_ =	sdelay $0x1  }
0xb5: {  	v16 =	vadd.f32 v17, v16  }
0xb6: {  	s3 =	simm.s32 $0x11000  }
0xb7: {  	s30 =	simm.s32 $0x40;
	[tilespmem:s3+$0x0] =	vst v16  }
0xb8: {  	v16 =	vld [tilespmem:s30+$0xA400]  }
0xb9: {  	v17 =	vld [tilespmem:s30+$0x2400]  }
0xba: {  	s28 =	simm.s32 $0x200;
	v18 =	vld [tilespmem:s30+$0x2410]  }
.LBB2_4:
0xbb: {  	p0 =	sne.s32 s28, $0x7F00;
	v19 =	vld [tilespmem:s30+$0xA410]  }
0xbc: {  	v20 =	vld [tilespmem:s30+$0x2420]  }
0xbd: {  	v21 =	vld [tilespmem:s30+$0xA420]  }
0xbe: {  	v22 =	vld [tilespmem:s30+$0x2430]  }
0xbf: {  	v23 =	vld [tilespmem:s30+$0xA430]  }
0xc0: {  	v16 =	vmul.f32 v16, v17;
	v17 =	vmul.f32 v19, v18;
	_ =	sdelay $0x1  }
0xc1: {  	v16 =	vadd.f32 v17, v16;
	v17 =	vmul.f32 v21, v20;
	_ =	sdelay $0x1  }
0xc2: {  	v16 =	vadd.f32 v17, v16;
	v17 =	vmul.f32 v23, v22;
	_ =	sdelay $0x1  }
0xc3: {  	v16 =	vadd.f32 v17, v16  }
.Ltmp1:
0xc4: {  	s3 =	sadd.s32 $0x10, s3;
	(pc) =	sbr.rel @p0 .LBB2_4-.Ltmp1, $4  }
0xc5: {  	s30 =	sshra.s32 s28, $0x2;
	[tilespmem:s3+$0x0] =	vst v16  }
0xc6: {  	v16 =	vld [tilespmem:s30+$0xA400]  }
0xc7: {  	v17 =	vld [tilespmem:s30+$0x2400]  }
0xc8: {  	s28 =	sadd.s32 $0x100, s28;
	v18 =	vld [tilespmem:s30+$0x2410]  }
0xc9: {  	v19 =	vld [tilespmem:s30+$0xA410]  }
0xca: {  	v20 =	vld [tilespmem:s30+$0x2420]  }
0xcb: {  	v21 =	vld [tilespmem:s30+$0xA420]  }
0xcc: {  	v22 =	vld [tilespmem:s30+$0x2430]  }
0xcd: {  	v23 =	vld [tilespmem:s30+$0xA430]  }
0xce: {  	v16 =	vmul.f32 v16, v17;
	v17 =	vmul.f32 v19, v18;
	_ =	sdelay $0x1  }
0xcf: {  	v16 =	vadd.f32 v17, v16;
	v17 =	vmul.f32 v21, v20;
	_ =	sdelay $0x1  }
0xd0: {  	v16 =	vadd.f32 v17, v16;
	v17 =	vmul.f32 v23, v22;
	_ =	sdelay $0x1  }
0xd1: {  	v16 =	vadd.f32 v17, v16  }
0xd2: {  	s3 =	sadd.s32 $0x10, s3  }
0xd3: {  	[tilespmem:s3+$0x0] =	vst v16  }
0xd4: {  	v16 =	vld [tilespmem:s0+$0xC400]  }
0xd5: {  	v17 =	vld [tilespmem:s0+$0x4400]  }
0xd6: {  	v18 =	vld [tilespmem:s0+$0x4410]  }
0xd7: {  	v19 =	vld [tilespmem:s0+$0xC410]  }
0xd8: {  	v20 =	vld [tilespmem:s0+$0x4420]  }
0xd9: {  	v61 =	vld [tilespmem:s0+$0xC420]  }
0xda: {  	v62 =	vld [tilespmem:s0+$0x4430]  }
0xdb: {  	v63 =	vld [tilespmem:s0+$0xC430]  }
0xdc: {  	v16 =	vmul.f32 v16, v17;
	v17 =	vmul.f32 v19, v18;
	_ =	sdelay $0x1  }
0xdd: {  	v16 =	vadd.f32 v17, v16;
	v17 =	vmul.f32 v61, v20;
	_ =	sdelay $0x1  }
0xde: {  	v16 =	vadd.f32 v17, v16;
	v17 =	vmul.f32 v63, v62;
	_ =	sdelay $0x1  }
0xdf: {  	v16 =	vadd.f32 v17, v16  }
0xe0: {  	s0 =	simm.s32 $0x11800  }
0xe1: {  	s28 =	simm.s32 $0x40;
	[tilespmem:s0+$0x0] =	vst v16  }
0xe2: {  	v16 =	vld [tilespmem:s28+$0xC400]  }
0xe3: {  	v17 =	vld [tilespmem:s28+$0x4400]  }
0xe4: {  	s3 =	simm.s32 $0x200;
	v18 =	vld [tilespmem:s28+$0x4410]  }
.LBB2_6:
0xe5: {  	p0 =	sne.s32 s3, $0x7F00;
	v19 =	vld [tilespmem:s28+$0xC410]  }
0xe6: {  	v20 =	vld [tilespmem:s28+$0x4420]  }
0xe7: {  	v21 =	vld [tilespmem:s28+$0xC420]  }
0xe8: {  	v22 =	vld [tilespmem:s28+$0x4430]  }
0xe9: {  	v23 =	vld [tilespmem:s28+$0xC430]  }
0xea: {  	v16 =	vmul.f32 v16, v17;
	v17 =	vmul.f32 v19, v18;
	_ =	sdelay $0x1  }
0xeb: {  	v16 =	vadd.f32 v17, v16;
	v17 =	vmul.f32 v21, v20;
	_ =	sdelay $0x1  }
0xec: {  	v16 =	vadd.f32 v17, v16;
	v17 =	vmul.f32 v23, v22;
	_ =	sdelay $0x1  }
0xed: {  	v16 =	vadd.f32 v17, v16  }
.Ltmp2:
0xee: {  	s0 =	sadd.s32 $0x10, s0;
	(pc) =	sbr.rel @p0 .LBB2_6-.Ltmp2, $4  }
0xef: {  	s28 =	sshra.s32 s3, $0x2;
	[tilespmem:s0+$0x0] =	vst v16  }
0xf0: {  	v16 =	vld [tilespmem:s28+$0xC400]  }
0xf1: {  	v17 =	vld [tilespmem:s28+$0x4400]  }
0xf2: {  	s3 =	sadd.s32 $0x100, s3;
	v18 =	vld [tilespmem:s28+$0x4410]  }
0xf3: {  	v19 =	vld [tilespmem:s28+$0xC410]  }
0xf4: {  	v20 =	vld [tilespmem:s28+$0x4420]  }
0xf5: {  	v21 =	vld [tilespmem:s28+$0xC420]  }
0xf6: {  	v22 =	vld [tilespmem:s28+$0x4430]  }
0xf7: {  	v23 =	vld [tilespmem:s28+$0xC430]  }
0xf8: {  	v16 =	vmul.f32 v16, v17;
	v17 =	vmul.f32 v19, v18;
	_ =	sdelay $0x1  }
0xf9: {  	v16 =	vadd.f32 v17, v16;
	v17 =	vmul.f32 v21, v20;
	_ =	sdelay $0x1  }
0xfa: {  	v16 =	vadd.f32 v17, v16;
	v17 =	vmul.f32 v23, v22;
	_ =	sdelay $0x1  }
0xfb: {  	v16 =	vadd.f32 v17, v16  }
0xfc: {  	s0 =	sadd.s32 $0x10, s0  }
0xfd: {  	s3 =	simm.s32 $0x0;
	[tilespmem:s0+$0x0] =	vst v16  }
0xfe: {  	v16 =	vld [tilespmem:s3+$0xE400]  }
0xff: {  	v17 =	vld [tilespmem:s3+$0x6400]  }
0x100: {  	v18 =	vld [tilespmem:s3+$0x6410]  }
0x101: {  	v19 =	vld [tilespmem:s3+$0xE410]  }
0x102: {  	v20 =	vld [tilespmem:s3+$0x6420]  }
0x103: {  	v61 =	vld [tilespmem:s3+$0xE420]  }
0x104: {  	v62 =	vld [tilespmem:s3+$0x6430]  }
0x105: {  	v63 =	vld [tilespmem:s3+$0xE430]  }
0x106: {  	v16 =	vmul.f32 v16, v17;
	v17 =	vmul.f32 v19, v18;
	_ =	sdelay $0x1  }
0x107: {  	v16 =	vadd.f32 v17, v16;
	v17 =	vmul.f32 v61, v20;
	_ =	sdelay $0x1  }
0x108: {  	v16 =	vadd.f32 v17, v16;
	v17 =	vmul.f32 v63, v62;
	_ =	sdelay $0x1  }
0x109: {  	v16 =	vadd.f32 v17, v16  }
0x10a: {  	s28 =	simm.s32 $0x12000  }
0x10b: {  	s31 =	simm.s32 $0x40;
	[tilespmem:s28+$0x0] =	vst v16  }
0x10c: {  	v16 =	vld [tilespmem:s31+$0xE400]  }
0x10d: {  	v17 =	vld [tilespmem:s31+$0x6400]  }
0x10e: {  	s30 =	simm.s32 $0x200;
	s0 =	simm.s32 $0x100;
	s3 =	simm.s32 $0x0;
	v18 =	vld [tilespmem:s31+$0x6410]  }
.LBB2_8:
0x10f: {  	p0 =	sne.s32 s30, $0x7F00;
	v19 =	vld [tilespmem:s31+$0xE410]  }
0x110: {  	v20 =	vld [tilespmem:s31+$0x6420]  }
0x111: {  	v21 =	vld [tilespmem:s31+$0xE420]  }
0x112: {  	v22 =	vld [tilespmem:s31+$0x6430]  }
0x113: {  	v23 =	vld [tilespmem:s31+$0xE430]  }
0x114: {  	v16 =	vmul.f32 v16, v17;
	v17 =	vmul.f32 v19, v18;
	_ =	sdelay $0x1  }
0x115: {  	v16 =	vadd.f32 v17, v16;
	v17 =	vmul.f32 v21, v20;
	_ =	sdelay $0x1  }
0x116: {  	v16 =	vadd.f32 v17, v16;
	v17 =	vmul.f32 v23, v22;
	_ =	sdelay $0x1  }
0x117: {  	v16 =	vadd.f32 v17, v16  }
.Ltmp3:
0x118: {  	s28 =	sadd.s32 $0x10, s28;
	(pc) =	sbr.rel @p0 .LBB2_8-.Ltmp3, $4  }
0x119: {  	s31 =	sshra.s32 s30, $0x2;
	[tilespmem:s28+$0x0] =	vst v16  }
0x11a: {  	v16 =	vld [tilespmem:s31+$0xE400]  }
0x11b: {  	v17 =	vld [tilespmem:s31+$0x6400]  }
0x11c: {  	s30 =	sadd.s32 $0x100, s30;
	v18 =	vld [tilespmem:s31+$0x6410]  }
0x11d: {  	v19 =	vld [tilespmem:s31+$0xE410]  }
0x11e: {  	v20 =	vld [tilespmem:s31+$0x6420]  }
0x11f: {  	v21 =	vld [tilespmem:s31+$0xE420]  }
0x120: {  	v22 =	vld [tilespmem:s31+$0x6430]  }
0x121: {  	v23 =	vld [tilespmem:s31+$0xE430]  }
0x122: {  	v16 =	vmul.f32 v16, v17;
	v17 =	vmul.f32 v19, v18;
	_ =	sdelay $0x1  }
0x123: {  	v16 =	vadd.f32 v17, v16;
	v17 =	vmul.f32 v21, v20;
	_ =	sdelay $0x1  }
0x124: {  	v18 =	vor.u32 s3, v1;
	v16 =	vadd.f32 v17, v16;
	v17 =	vmul.f32 v23, v22  }
0x125: {  	v19 =	vor.u32 s3, v0  }
0x126: {  	v16 =	vadd.f32 v17, v16  }
0x127: {  	s28 =	sadd.s32 $0x10, s28;
	v17 =	vor.u32 s3, v2  }
0x128: {  	[tilespmem:s28+$0x0] =	vst v16  }
0x129: {  	v16 =	vld.idx.msk [tilespmem:v18+s26+$0x0], $0xffff;
	v18 =	vor.u32 s3, v3  }
0x12a: {  	v19 =	vld.idx.msk [tilespmem:v19+s26+$0x0], $0xffff  }
0x12b: {  	v20 =	vor.u32 s3, v4  }
0x12c: {  	v17 =	vld.idx.msk [tilespmem:v17+s26+$0x0], $0xffff  }
0x12d: {  	v48 =	vor.u32 s3, v5  }
0x12e: {  	v18 =	vld.idx.msk [tilespmem:v18+s26+$0x0], $0xffff  }
0x12f: {  	v49 =	vor.u32 s3, v6;
	v16 =	vadd.f32 v16, v19  }
0x130: {  	v19 =	vld.idx.msk [tilespmem:v20+s26+$0x0], $0xffff  }
0x131: {  	v20 =	vor.u32 s3, v7;
	v16 =	vadd.f32 v17, v16  }
0x132: {  	v17 =	vld.idx.msk [tilespmem:v48+s26+$0x0], $0xffff  }
0x133: {  	v50 =	vor.u32 s3, v8;
	v16 =	vadd.f32 v18, v16  }
0x134: {  	v18 =	vld.idx.msk [tilespmem:v49+s26+$0x0], $0xffff  }
0x135: {  	v51 =	vor.u32 s3, v9;
	v16 =	vadd.f32 v19, v16  }
0x136: {  	v19 =	vld.idx.msk [tilespmem:v20+s26+$0x0], $0xffff  }
0x137: {  	v20 =	vor.u32 s3, v10;
	v16 =	vadd.f32 v17, v16  }
0x138: {  	v17 =	vld.idx.msk [tilespmem:v50+s26+$0x0], $0xffff  }
0x139: {  	v52 =	vor.u32 s3, v11;
	v16 =	vadd.f32 v18, v16  }
0x13a: {  	v18 =	vld.idx.msk [tilespmem:v51+s26+$0x0], $0xffff  }
0x13b: {  	v53 =	vor.u32 s3, v12;
	v16 =	vadd.f32 v19, v16  }
0x13c: {  	v19 =	vld.idx.msk [tilespmem:v20+s26+$0x0], $0xffff  }
0x13d: {  	v20 =	vor.u32 s3, v13;
	v16 =	vadd.f32 v17, v16  }
0x13e: {  	v17 =	vld.idx.msk [tilespmem:v52+s26+$0x0], $0xffff  }
0x13f: {  	v54 =	vor.u32 s3, v14;
	v16 =	vadd.f32 v18, v16  }
0x140: {  	v18 =	vld.idx.msk [tilespmem:v53+s26+$0x0], $0xffff  }
0x141: {  	v55 =	vor.u32 s3, v15;
	v16 =	vadd.f32 v19, v16  }
0x142: {  	v19 =	vld.idx.msk [tilespmem:v20+s26+$0x0], $0xffff  }
0x143: {  	v16 =	vadd.f32 v17, v16  }
0x144: {  	v17 =	vld.idx.msk [tilespmem:v54+s26+$0x0], $0xffff  }
0x145: {  	v16 =	vadd.f32 v18, v16  }
0x146: {  	v18 =	vld.idx.msk [tilespmem:v55+s26+$0x0], $0xffff  }
0x147: {  	s3 =	simm.s32 $0x10400;
	v16 =	vadd.f32 v19, v16  }
0x148: {  	v19 =	vld [tilespmem:s3+$0x0]  }
0x149: {  	s3 =	simm.s32 $0x10600;
	v16 =	vadd.f32 v17, v16  }
0x14a: {  	v17 =	vld [tilespmem:s3+$0x0]  }
0x14b: {  	v16 =	vadd.f32 v18, v16;
	_ =	sdelay $0x1  }
0x14c: {  	v18 =	vor.u32 s0, v1;
	v16 =	vadd.f32 v19, v16  }
0x14d: {  	v19 =	vor.u32 s0, v0  }
0x14e: {  	v16 =	vadd.f32 v17, v16  }
0x14f: {  	s30 =	simm.s32 $0x12800;
	v17 =	vor.u32 s0, v2  }
0x150: {  	[tilespmem:s30+$0x0] =	vst v16  }
0x151: {  	v16 =	vld.idx.msk [tilespmem:v18+s26+$0x0], $0xffff;
	v18 =	vor.u32 s0, v3  }
0x152: {  	v19 =	vld.idx.msk [tilespmem:v19+s26+$0x0], $0xffff  }
0x153: {  	v20 =	vor.u32 s0, v4  }
0x154: {  	v17 =	vld.idx.msk [tilespmem:v17+s26+$0x0], $0xffff  }
0x155: {  	v56 =	vor.u32 s0, v5  }
0x156: {  	v18 =	vld.idx.msk [tilespmem:v18+s26+$0x0], $0xffff  }
0x157: {  	v57 =	vor.u32 s0, v6;
	v16 =	vadd.f32 v16, v19  }
0x158: {  	v19 =	vld.idx.msk [tilespmem:v20+s26+$0x0], $0xffff  }
0x159: {  	v20 =	vor.u32 s0, v7;
	v16 =	vadd.f32 v17, v16  }
0x15a: {  	v17 =	vld.idx.msk [tilespmem:v56+s26+$0x0], $0xffff  }
0x15b: {  	v58 =	vor.u32 s0, v8;
	v16 =	vadd.f32 v18, v16  }
0x15c: {  	v18 =	vld.idx.msk [tilespmem:v57+s26+$0x0], $0xffff  }
0x15d: {  	v59 =	vor.u32 s0, v9;
	v16 =	vadd.f32 v19, v16  }
0x15e: {  	v19 =	vld.idx.msk [tilespmem:v20+s26+$0x0], $0xffff  }
0x15f: {  	v20 =	vor.u32 s0, v10;
	v16 =	vadd.f32 v17, v16  }
0x160: {  	v17 =	vld.idx.msk [tilespmem:v58+s26+$0x0], $0xffff  }
0x161: {  	v60 =	vor.u32 s0, v11;
	v16 =	vadd.f32 v18, v16  }
0x162: {  	v18 =	vld.idx.msk [tilespmem:v59+s26+$0x0], $0xffff  }
0x163: {  	v61 =	vor.u32 s0, v12;
	v16 =	vadd.f32 v19, v16  }
0x164: {  	v19 =	vld.idx.msk [tilespmem:v20+s26+$0x0], $0xffff  }
0x165: {  	v20 =	vor.u32 s0, v13;
	v16 =	vadd.f32 v17, v16  }
0x166: {  	v17 =	vld.idx.msk [tilespmem:v60+s26+$0x0], $0xffff  }
0x167: {  	v62 =	vor.u32 s0, v14;
	v16 =	vadd.f32 v18, v16  }
0x168: {  	v18 =	vld.idx.msk [tilespmem:v61+s26+$0x0], $0xffff  }
0x169: {  	v63 =	vor.u32 s0, v15;
	v16 =	vadd.f32 v19, v16  }
0x16a: {  	v19 =	vld.idx.msk [tilespmem:v20+s26+$0x0], $0xffff  }
0x16b: {  	v16 =	vadd.f32 v17, v16  }
0x16c: {  	v17 =	vld.idx.msk [tilespmem:v62+s26+$0x0], $0xffff  }
0x16d: {  	v16 =	vadd.f32 v18, v16  }
0x16e: {  	v18 =	vld.idx.msk [tilespmem:v63+s26+$0x0], $0xffff  }
0x16f: {  	v16 =	vadd.f32 v19, v16  }
0x170: {  	s31 =	simm.s32 $0x10410  }
0x171: {  	v19 =	vld [tilespmem:s31+$0x0];
	v16 =	vadd.f32 v17, v16  }
0x172: {  	s0 =	simm.s32 $0x10610  }
0x173: {  	v17 =	vadd.f32 v18, v16;
	v18 =	vld [tilespmem:s0+$0x0];
	_ =	sdelay $0x1  }
0x174: {  	s3 =	simm.s32 $0x200  }
0x175: {  	v16 =	vor.u32 s3, v1;
	v19 =	vadd.f32 v19, v17  }
0x176: {  	s28 =	simm.s32 $0x300;
	v17 =	vor.u32 s3, v0  }
.LBB2_10:
0x177: {  	p0 =	sne.s32 s28, $0x700;
	v18 =	vadd.f32 v18, v19  }
0x178: {  	v19 =	vor.u32 s3, v2;
	s30 =	sadd.s32 $0x10, s30  }
0x179: {  	[tilespmem:s30+$0x0] =	vst v18  }
0x17a: {  	v18 =	vor.u32 s3, v3;
	v16 =	vld.idx.msk [tilespmem:v16+s26+$0x0], $0xffff  }
0x17b: {  	v17 =	vld.idx.msk [tilespmem:v17+s26+$0x0], $0xffff  }
0x17c: {  	v20 =	vor.u32 s3, v4  }
0x17d: {  	v19 =	vld.idx.msk [tilespmem:v19+s26+$0x0], $0xffff  }
0x17e: {  	v21 =	vor.u32 s3, v5  }
0x17f: {  	v18 =	vld.idx.msk [tilespmem:v18+s26+$0x0], $0xffff  }
0x180: {  	v22 =	vor.u32 s3, v6  }
0x181: {  	v16 =	vadd.f32 v16, v17;
	v17 =	vld.idx.msk [tilespmem:v20+s26+$0x0], $0xffff  }
0x182: {  	v20 =	vor.u32 s3, v7  }
0x183: {  	v16 =	vadd.f32 v19, v16;
	v19 =	vld.idx.msk [tilespmem:v21+s26+$0x0], $0xffff  }
0x184: {  	v21 =	vor.u32 s3, v8  }
0x185: {  	v16 =	vadd.f32 v18, v16;
	v18 =	vld.idx.msk [tilespmem:v22+s26+$0x0], $0xffff  }
0x186: {  	v22 =	vor.u32 s3, v9  }
0x187: {  	v16 =	vadd.f32 v17, v16;
	v17 =	vld.idx.msk [tilespmem:v20+s26+$0x0], $0xffff  }
0x188: {  	v20 =	vor.u32 s3, v10  }
0x189: {  	v16 =	vadd.f32 v19, v16;
	v19 =	vld.idx.msk [tilespmem:v21+s26+$0x0], $0xffff  }
0x18a: {  	v21 =	vor.u32 s3, v11  }
0x18b: {  	v16 =	vadd.f32 v18, v16;
	v18 =	vld.idx.msk [tilespmem:v22+s26+$0x0], $0xffff  }
0x18c: {  	v22 =	vor.u32 s3, v12  }
0x18d: {  	v16 =	vadd.f32 v17, v16;
	v17 =	vld.idx.msk [tilespmem:v20+s26+$0x0], $0xffff  }
0x18e: {  	v20 =	vor.u32 s3, v13  }
0x18f: {  	v16 =	vadd.f32 v19, v16;
	v19 =	vld.idx.msk [tilespmem:v21+s26+$0x0], $0xffff  }
0x190: {  	v21 =	vor.u32 s3, v14  }
0x191: {  	v16 =	vadd.f32 v18, v16;
	v18 =	vld.idx.msk [tilespmem:v22+s26+$0x0], $0xffff  }
0x192: {  	v22 =	vor.u32 s3, v15;
	s3 =	smov.u32 s28  }
0x193: {  	v16 =	vadd.f32 v17, v16;
	v17 =	vld.idx.msk [tilespmem:v20+s26+$0x0], $0xffff;
	_ =	sdelay $0x1  }
0x194: {  	v16 =	vadd.f32 v19, v16;
	v19 =	vld.idx.msk [tilespmem:v21+s26+$0x0], $0xffff;
	_ =	sdelay $0x1  }
0x195: {  	v16 =	vadd.f32 v18, v16;
	v20 =	vld.idx.msk [tilespmem:v22+s26+$0x0], $0xffff;
	_ =	sdelay $0x1  }
0x196: {  	s31 =	sadd.s32 $0x10, s31;
	v16 =	vadd.f32 v17, v16  }
0x197: {  	v17 =	vld [tilespmem:s31+$0x0]  }
0x198: {  	s0 =	sadd.s32 $0x10, s0;
	v16 =	vadd.f32 v19, v16  }
.Ltmp4:
0x199: {  	v18 =	vld [tilespmem:s0+$0x0];
	(pc) =	sbr.rel @p0 .LBB2_10-.Ltmp4, $3  }
0x19a: {  	v19 =	vadd.f32 v20, v16;
	_ =	sdelay $0x1  }
0x19b: {  	v16 =	vor.u32 s28, v1;
	v19 =	vadd.f32 v17, v19  }
0x19c: {  	s28 =	sadd.s32 $0x100, s28;
	v17 =	vor.u32 s3, v0  }
0x19d: {  	_ = 	snop  }
0x19e: {  	v18 =	vadd.f32 v18, v19  }
0x19f: {  	v19 =	vor.u32 s3, v2;
	s28 =	sadd.s32 $0x10, s30  }
0x1a0: {  	[tilespmem:s28+$0x0] =	vst v18  }
0x1a1: {  	v18 =	vor.u32 s3, v3;
	v16 =	vld.idx.msk [tilespmem:v16+s26+$0x0], $0xffff  }
0x1a2: {  	v17 =	vld.idx.msk [tilespmem:v17+s26+$0x0], $0xffff  }
0x1a3: {  	v20 =	vor.u32 s3, v4  }
0x1a4: {  	v19 =	vld.idx.msk [tilespmem:v19+s26+$0x0], $0xffff  }
0x1a5: {  	v21 =	vor.u32 s3, v5  }
0x1a6: {  	v18 =	vld.idx.msk [tilespmem:v18+s26+$0x0], $0xffff  }
0x1a7: {  	v22 =	vor.u32 s3, v6;
	v16 =	vadd.f32 v16, v17  }
0x1a8: {  	v17 =	vld.idx.msk [tilespmem:v20+s26+$0x0], $0xffff  }
0x1a9: {  	v20 =	vor.u32 s3, v7;
	v16 =	vadd.f32 v19, v16  }
0x1aa: {  	v19 =	vld.idx.msk [tilespmem:v21+s26+$0x0], $0xffff  }
0x1ab: {  	v42 =	vor.u32 s3, v8;
	v16 =	vadd.f32 v18, v16  }
0x1ac: {  	v18 =	vld.idx.msk [tilespmem:v22+s26+$0x0], $0xffff  }
0x1ad: {  	v43 =	vor.u32 s3, v9;
	v16 =	vadd.f32 v17, v16  }
0x1ae: {  	v17 =	vld.idx.msk [tilespmem:v20+s26+$0x0], $0xffff  }
0x1af: {  	v20 =	vor.u32 s3, v10;
	v16 =	vadd.f32 v19, v16  }
0x1b0: {  	v19 =	vld.idx.msk [tilespmem:v42+s26+$0x0], $0xffff  }
0x1b1: {  	v44 =	vor.u32 s3, v11;
	v16 =	vadd.f32 v18, v16  }
0x1b2: {  	v18 =	vld.idx.msk [tilespmem:v43+s26+$0x0], $0xffff  }
0x1b3: {  	v45 =	vor.u32 s3, v12;
	v16 =	vadd.f32 v17, v16  }
0x1b4: {  	v17 =	vld.idx.msk [tilespmem:v20+s26+$0x0], $0xffff  }
0x1b5: {  	v20 =	vor.u32 s3, v13;
	v16 =	vadd.f32 v19, v16  }
0x1b6: {  	v19 =	vld.idx.msk [tilespmem:v44+s26+$0x0], $0xffff  }
0x1b7: {  	v46 =	vor.u32 s3, v14;
	v16 =	vadd.f32 v18, v16  }
0x1b8: {  	v18 =	vld.idx.msk [tilespmem:v45+s26+$0x0], $0xffff  }
0x1b9: {  	v47 =	vor.u32 s3, v15;
	v16 =	vadd.f32 v17, v16  }
0x1ba: {  	v17 =	vld.idx.msk [tilespmem:v20+s26+$0x0], $0xffff  }
0x1bb: {  	v16 =	vadd.f32 v19, v16  }
0x1bc: {  	v19 =	vld.idx.msk [tilespmem:v46+s26+$0x0], $0xffff  }
0x1bd: {  	v16 =	vadd.f32 v18, v16  }
0x1be: {  	v18 =	vld.idx.msk [tilespmem:v47+s26+$0x0], $0xffff  }
0x1bf: {  	s3 =	sadd.s32 $0x10, s31;
	v16 =	vadd.f32 v17, v16  }
0x1c0: {  	v17 =	vld [tilespmem:s3+$0x0]  }
0x1c1: {  	s0 =	sadd.s32 $0x10, s0;
	v16 =	vadd.f32 v19, v16  }
0x1c2: {  	v19 =	vld [tilespmem:s0+$0x0]  }
0x1c3: {  	v16 =	vadd.f32 v18, v16  }
0x1c4: {  	s0 =	simm.s32 $0x800  }
0x1c5: {  	v16 =	vadd.f32 v17, v16;
	v17 =	vor.u32 s0, v1  }
0x1c6: {  	v18 =	vor.u32 s0, v0  }
0x1c7: {  	v16 =	vadd.f32 v19, v16  }
0x1c8: {  	s3 =	sadd.s32 $0x10, s28;
	v19 =	vor.u32 s0, v2  }
0x1c9: {  	[tilespmem:s3+$0x0] =	vst v16  }
0x1ca: {  	v16 =	vld.idx.msk [tilespmem:v17+s26+$0x0], $0xffff;
	v17 =	vor.u32 s0, v3  }
0x1cb: {  	v18 =	vld.idx.msk [tilespmem:v18+s26+$0x0], $0xffff  }
0x1cc: {  	v20 =	vor.u32 s0, v4  }
0x1cd: {  	v19 =	vld.idx.msk [tilespmem:v19+s26+$0x0], $0xffff  }
0x1ce: {  	v48 =	vor.u32 s0, v5  }
0x1cf: {  	v17 =	vld.idx.msk [tilespmem:v17+s26+$0x0], $0xffff  }
0x1d0: {  	v49 =	vor.u32 s0, v6;
	v16 =	vadd.f32 v16, v18  }
0x1d1: {  	v18 =	vld.idx.msk [tilespmem:v20+s26+$0x0], $0xffff  }
0x1d2: {  	v20 =	vor.u32 s0, v7;
	v16 =	vadd.f32 v19, v16  }
0x1d3: {  	v19 =	vld.idx.msk [tilespmem:v48+s26+$0x0], $0xffff  }
0x1d4: {  	v50 =	vor.u32 s0, v8;
	v16 =	vadd.f32 v17, v16  }
0x1d5: {  	v17 =	vld.idx.msk [tilespmem:v49+s26+$0x0], $0xffff  }
0x1d6: {  	v51 =	vor.u32 s0, v9;
	v16 =	vadd.f32 v18, v16  }
0x1d7: {  	v18 =	vld.idx.msk [tilespmem:v20+s26+$0x0], $0xffff  }
0x1d8: {  	v20 =	vor.u32 s0, v10;
	v16 =	vadd.f32 v19, v16  }
0x1d9: {  	v19 =	vld.idx.msk [tilespmem:v50+s26+$0x0], $0xffff  }
0x1da: {  	v52 =	vor.u32 s0, v11;
	v16 =	vadd.f32 v17, v16  }
0x1db: {  	v17 =	vld.idx.msk [tilespmem:v51+s26+$0x0], $0xffff  }
0x1dc: {  	v53 =	vor.u32 s0, v12;
	v16 =	vadd.f32 v18, v16  }
0x1dd: {  	v18 =	vld.idx.msk [tilespmem:v20+s26+$0x0], $0xffff  }
0x1de: {  	v20 =	vor.u32 s0, v13;
	v16 =	vadd.f32 v19, v16  }
0x1df: {  	v19 =	vld.idx.msk [tilespmem:v52+s26+$0x0], $0xffff  }
0x1e0: {  	v54 =	vor.u32 s0, v14;
	v16 =	vadd.f32 v17, v16  }
0x1e1: {  	v17 =	vld.idx.msk [tilespmem:v53+s26+$0x0], $0xffff  }
0x1e2: {  	v55 =	vor.u32 s0, v15;
	v16 =	vadd.f32 v18, v16  }
0x1e3: {  	v18 =	vld.idx.msk [tilespmem:v20+s26+$0x0], $0xffff  }
0x1e4: {  	v16 =	vadd.f32 v19, v16  }
0x1e5: {  	v19 =	vld.idx.msk [tilespmem:v54+s26+$0x0], $0xffff  }
0x1e6: {  	v16 =	vadd.f32 v17, v16  }
0x1e7: {  	v17 =	vld.idx.msk [tilespmem:v55+s26+$0x0], $0xffff  }
0x1e8: {  	s3 =	simm.s32 $0x10480;
	v16 =	vadd.f32 v18, v16  }
0x1e9: {  	v18 =	vld [tilespmem:s3+$0x0]  }
0x1ea: {  	s3 =	simm.s32 $0x10680;
	v16 =	vadd.f32 v19, v16  }
0x1eb: {  	v19 =	vld [tilespmem:s3+$0x0]  }
0x1ec: {  	v16 =	vadd.f32 v17, v16  }
0x1ed: {  	s3 =	simm.s32 $0x900  }
0x1ee: {  	v17 =	vor.u32 s3, v1;
	v16 =	vadd.f32 v18, v16  }
0x1ef: {  	v18 =	vor.u32 s3, v0  }
0x1f0: {  	v16 =	vadd.f32 v19, v16  }
0x1f1: {  	s30 =	simm.s32 $0x12880;
	v19 =	vor.u32 s3, v2  }
0x1f2: {  	[tilespmem:s30+$0x0] =	vst v16  }
0x1f3: {  	v16 =	vld.idx.msk [tilespmem:v17+s26+$0x0], $0xffff;
	v17 =	vor.u32 s3, v3  }
0x1f4: {  	v18 =	vld.idx.msk [tilespmem:v18+s26+$0x0], $0xffff  }
0x1f5: {  	v20 =	vor.u32 s3, v4  }
0x1f6: {  	v19 =	vld.idx.msk [tilespmem:v19+s26+$0x0], $0xffff  }
0x1f7: {  	v56 =	vor.u32 s3, v5  }
0x1f8: {  	v17 =	vld.idx.msk [tilespmem:v17+s26+$0x0], $0xffff  }
0x1f9: {  	v57 =	vor.u32 s3, v6;
	v16 =	vadd.f32 v16, v18  }
0x1fa: {  	v18 =	vld.idx.msk [tilespmem:v20+s26+$0x0], $0xffff  }
0x1fb: {  	v20 =	vor.u32 s3, v7;
	v16 =	vadd.f32 v19, v16  }
0x1fc: {  	v19 =	vld.idx.msk [tilespmem:v56+s26+$0x0], $0xffff  }
0x1fd: {  	v58 =	vor.u32 s3, v8;
	v16 =	vadd.f32 v17, v16  }
0x1fe: {  	v17 =	vld.idx.msk [tilespmem:v57+s26+$0x0], $0xffff  }
0x1ff: {  	v59 =	vor.u32 s3, v9;
	v16 =	vadd.f32 v18, v16  }
0x200: {  	v18 =	vld.idx.msk [tilespmem:v20+s26+$0x0], $0xffff  }
0x201: {  	v20 =	vor.u32 s3, v10;
	v16 =	vadd.f32 v19, v16  }
0x202: {  	v19 =	vld.idx.msk [tilespmem:v58+s26+$0x0], $0xffff  }
0x203: {  	v60 =	vor.u32 s3, v11;
	v16 =	vadd.f32 v17, v16  }
0x204: {  	v17 =	vld.idx.msk [tilespmem:v59+s26+$0x0], $0xffff  }
0x205: {  	v61 =	vor.u32 s3, v12;
	v16 =	vadd.f32 v18, v16  }
0x206: {  	v18 =	vld.idx.msk [tilespmem:v20+s26+$0x0], $0xffff  }
0x207: {  	v20 =	vor.u32 s3, v13;
	v16 =	vadd.f32 v19, v16  }
0x208: {  	v19 =	vld.idx.msk [tilespmem:v60+s26+$0x0], $0xffff  }
0x209: {  	v62 =	vor.u32 s3, v14;
	v16 =	vadd.f32 v17, v16  }
0x20a: {  	v17 =	vld.idx.msk [tilespmem:v61+s26+$0x0], $0xffff  }
0x20b: {  	v63 =	vor.u32 s3, v15;
	v16 =	vadd.f32 v18, v16  }
0x20c: {  	v18 =	vld.idx.msk [tilespmem:v20+s26+$0x0], $0xffff  }
0x20d: {  	v16 =	vadd.f32 v19, v16  }
0x20e: {  	v19 =	vld.idx.msk [tilespmem:v62+s26+$0x0], $0xffff  }
0x20f: {  	v16 =	vadd.f32 v17, v16  }
0x210: {  	v17 =	vld.idx.msk [tilespmem:v63+s26+$0x0], $0xffff  }
0x211: {  	s31 =	simm.s32 $0x10490;
	v16 =	vadd.f32 v18, v16  }
0x212: {  	v20 =	vld [tilespmem:s31+$0x0]  }
0x213: {  	s0 =	simm.s32 $0x10690;
	v16 =	vadd.f32 v19, v16  }
0x214: {  	v18 =	vld [tilespmem:s0+$0x0]  }
0x215: {  	v17 =	vadd.f32 v17, v16  }
0x216: {  	s3 =	simm.s32 $0xA00  }
0x217: {  	v16 =	vor.u32 s3, v1;
	v19 =	vadd.f32 v20, v17  }
0x218: {  	s28 =	simm.s32 $0xB00;
	v17 =	vor.u32 s3, v0  }
.LBB2_12:
0x219: {  	p0 =	sne.s32 s28, $0xF00;
	v18 =	vadd.f32 v18, v19  }
0x21a: {  	v19 =	vor.u32 s3, v2;
	s30 =	sadd.s32 $0x10, s30  }
0x21b: {  	[tilespmem:s30+$0x0] =	vst v18  }
0x21c: {  	v18 =	vor.u32 s3, v3;
	v16 =	vld.idx.msk [tilespmem:v16+s26+$0x0], $0xffff  }
0x21d: {  	v17 =	vld.idx.msk [tilespmem:v17+s26+$0x0], $0xffff  }
0x21e: {  	v20 =	vor.u32 s3, v4  }
0x21f: {  	v19 =	vld.idx.msk [tilespmem:v19+s26+$0x0], $0xffff  }
0x220: {  	v21 =	vor.u32 s3, v5  }
0x221: {  	v18 =	vld.idx.msk [tilespmem:v18+s26+$0x0], $0xffff  }
0x222: {  	v22 =	vor.u32 s3, v6  }
0x223: {  	v16 =	vadd.f32 v16, v17;
	v17 =	vld.idx.msk [tilespmem:v20+s26+$0x0], $0xffff  }
0x224: {  	v20 =	vor.u32 s3, v7  }
0x225: {  	v16 =	vadd.f32 v19, v16;
	v19 =	vld.idx.msk [tilespmem:v21+s26+$0x0], $0xffff  }
0x226: {  	v21 =	vor.u32 s3, v8  }
0x227: {  	v16 =	vadd.f32 v18, v16;
	v18 =	vld.idx.msk [tilespmem:v22+s26+$0x0], $0xffff  }
0x228: {  	v22 =	vor.u32 s3, v9  }
0x229: {  	v16 =	vadd.f32 v17, v16;
	v17 =	vld.idx.msk [tilespmem:v20+s26+$0x0], $0xffff  }
0x22a: {  	v20 =	vor.u32 s3, v10  }
0x22b: {  	v16 =	vadd.f32 v19, v16;
	v19 =	vld.idx.msk [tilespmem:v21+s26+$0x0], $0xffff  }
0x22c: {  	v21 =	vor.u32 s3, v11  }
0x22d: {  	v16 =	vadd.f32 v18, v16;
	v18 =	vld.idx.msk [tilespmem:v22+s26+$0x0], $0xffff  }
0x22e: {  	v22 =	vor.u32 s3, v12  }
0x22f: {  	v16 =	vadd.f32 v17, v16;
	v17 =	vld.idx.msk [tilespmem:v20+s26+$0x0], $0xffff  }
0x230: {  	v20 =	vor.u32 s3, v13  }
0x231: {  	v16 =	vadd.f32 v19, v16;
	v19 =	vld.idx.msk [tilespmem:v21+s26+$0x0], $0xffff  }
0x232: {  	v21 =	vor.u32 s3, v14  }
0x233: {  	v16 =	vadd.f32 v18, v16;
	v18 =	vld.idx.msk [tilespmem:v22+s26+$0x0], $0xffff  }
0x234: {  	v22 =	vor.u32 s3, v15;
	s3 =	smov.u32 s28  }
0x235: {  	v16 =	vadd.f32 v17, v16;
	v17 =	vld.idx.msk [tilespmem:v20+s26+$0x0], $0xffff;
	_ =	sdelay $0x1  }
0x236: {  	v16 =	vadd.f32 v19, v16;
	v19 =	vld.idx.msk [tilespmem:v21+s26+$0x0], $0xffff;
	_ =	sdelay $0x1  }
0x237: {  	v16 =	vadd.f32 v18, v16;
	v20 =	vld.idx.msk [tilespmem:v22+s26+$0x0], $0xffff;
	_ =	sdelay $0x1  }
0x238: {  	s31 =	sadd.s32 $0x10, s31;
	v16 =	vadd.f32 v17, v16  }
0x239: {  	v17 =	vld [tilespmem:s31+$0x0]  }
0x23a: {  	s0 =	sadd.s32 $0x10, s0;
	v16 =	vadd.f32 v19, v16  }
.Ltmp5:
0x23b: {  	v18 =	vld [tilespmem:s0+$0x0];
	(pc) =	sbr.rel @p0 .LBB2_12-.Ltmp5, $3  }
0x23c: {  	v19 =	vadd.f32 v20, v16;
	_ =	sdelay $0x1  }
0x23d: {  	v16 =	vor.u32 s28, v1;
	v19 =	vadd.f32 v17, v19  }
0x23e: {  	s28 =	sadd.s32 $0x100, s28;
	v17 =	vor.u32 s3, v0  }
0x23f: {  	_ = 	snop  }
0x240: {  	v18 =	vadd.f32 v18, v19  }
0x241: {  	v19 =	vor.u32 s3, v2;
	s28 =	sadd.s32 $0x10, s30  }
0x242: {  	[tilespmem:s28+$0x0] =	vst v18  }
0x243: {  	v18 =	vor.u32 s3, v3;
	v16 =	vld.idx.msk [tilespmem:v16+s26+$0x0], $0xffff  }
0x244: {  	v17 =	vld.idx.msk [tilespmem:v17+s26+$0x0], $0xffff  }
0x245: {  	v20 =	vor.u32 s3, v4  }
0x246: {  	v19 =	vld.idx.msk [tilespmem:v19+s26+$0x0], $0xffff  }
0x247: {  	v21 =	vor.u32 s3, v5  }
0x248: {  	v18 =	vld.idx.msk [tilespmem:v18+s26+$0x0], $0xffff  }
0x249: {  	v22 =	vor.u32 s3, v6;
	v16 =	vadd.f32 v16, v17  }
0x24a: {  	v17 =	vld.idx.msk [tilespmem:v20+s26+$0x0], $0xffff  }
0x24b: {  	v20 =	vor.u32 s3, v7;
	v16 =	vadd.f32 v19, v16  }
0x24c: {  	v19 =	vld.idx.msk [tilespmem:v21+s26+$0x0], $0xffff  }
0x24d: {  	v42 =	vor.u32 s3, v8;
	v16 =	vadd.f32 v18, v16  }
0x24e: {  	v18 =	vld.idx.msk [tilespmem:v22+s26+$0x0], $0xffff  }
0x24f: {  	v43 =	vor.u32 s3, v9;
	v16 =	vadd.f32 v17, v16  }
0x250: {  	v17 =	vld.idx.msk [tilespmem:v20+s26+$0x0], $0xffff  }
0x251: {  	v20 =	vor.u32 s3, v10;
	v16 =	vadd.f32 v19, v16  }
0x252: {  	v19 =	vld.idx.msk [tilespmem:v42+s26+$0x0], $0xffff  }
0x253: {  	v44 =	vor.u32 s3, v11;
	v16 =	vadd.f32 v18, v16  }
0x254: {  	v18 =	vld.idx.msk [tilespmem:v43+s26+$0x0], $0xffff  }
0x255: {  	v45 =	vor.u32 s3, v12;
	v16 =	vadd.f32 v17, v16  }
0x256: {  	v17 =	vld.idx.msk [tilespmem:v20+s26+$0x0], $0xffff  }
0x257: {  	v20 =	vor.u32 s3, v13;
	v16 =	vadd.f32 v19, v16  }
0x258: {  	v19 =	vld.idx.msk [tilespmem:v44+s26+$0x0], $0xffff  }
0x259: {  	v46 =	vor.u32 s3, v14;
	v16 =	vadd.f32 v18, v16  }
0x25a: {  	v18 =	vld.idx.msk [tilespmem:v45+s26+$0x0], $0xffff  }
0x25b: {  	v47 =	vor.u32 s3, v15;
	v16 =	vadd.f32 v17, v16  }
0x25c: {  	v17 =	vld.idx.msk [tilespmem:v20+s26+$0x0], $0xffff  }
0x25d: {  	v16 =	vadd.f32 v19, v16  }
0x25e: {  	v19 =	vld.idx.msk [tilespmem:v46+s26+$0x0], $0xffff  }
0x25f: {  	v16 =	vadd.f32 v18, v16  }
0x260: {  	v18 =	vld.idx.msk [tilespmem:v47+s26+$0x0], $0xffff  }
0x261: {  	s3 =	sadd.s32 $0x10, s31;
	v16 =	vadd.f32 v17, v16  }
0x262: {  	v17 =	vld [tilespmem:s3+$0x0]  }
0x263: {  	s0 =	sadd.s32 $0x10, s0;
	v16 =	vadd.f32 v19, v16  }
0x264: {  	v19 =	vld [tilespmem:s0+$0x0]  }
0x265: {  	v16 =	vadd.f32 v18, v16  }
0x266: {  	s0 =	simm.s32 $0x1000  }
0x267: {  	v16 =	vadd.f32 v17, v16;
	v17 =	vor.u32 s0, v1  }
0x268: {  	v18 =	vor.u32 s0, v0  }
0x269: {  	v16 =	vadd.f32 v19, v16  }
0x26a: {  	s3 =	sadd.s32 $0x10, s28;
	v19 =	vor.u32 s0, v2  }
0x26b: {  	[tilespmem:s3+$0x0] =	vst v16  }
0x26c: {  	v16 =	vld.idx.msk [tilespmem:v17+s26+$0x0], $0xffff;
	v17 =	vor.u32 s0, v3  }
0x26d: {  	v18 =	vld.idx.msk [tilespmem:v18+s26+$0x0], $0xffff  }
0x26e: {  	v20 =	vor.u32 s0, v4  }
0x26f: {  	v19 =	vld.idx.msk [tilespmem:v19+s26+$0x0], $0xffff  }
0x270: {  	v48 =	vor.u32 s0, v5  }
0x271: {  	v17 =	vld.idx.msk [tilespmem:v17+s26+$0x0], $0xffff  }
0x272: {  	v49 =	vor.u32 s0, v6;
	v16 =	vadd.f32 v16, v18  }
0x273: {  	v18 =	vld.idx.msk [tilespmem:v20+s26+$0x0], $0xffff  }
0x274: {  	v20 =	vor.u32 s0, v7;
	v16 =	vadd.f32 v19, v16  }
0x275: {  	v19 =	vld.idx.msk [tilespmem:v48+s26+$0x0], $0xffff  }
0x276: {  	v50 =	vor.u32 s0, v8;
	v16 =	vadd.f32 v17, v16  }
0x277: {  	v17 =	vld.idx.msk [tilespmem:v49+s26+$0x0], $0xffff  }
0x278: {  	v51 =	vor.u32 s0, v9;
	v16 =	vadd.f32 v18, v16  }
0x279: {  	v18 =	vld.idx.msk [tilespmem:v20+s26+$0x0], $0xffff  }
0x27a: {  	v20 =	vor.u32 s0, v10;
	v16 =	vadd.f32 v19, v16  }
0x27b: {  	v19 =	vld.idx.msk [tilespmem:v50+s26+$0x0], $0xffff  }
0x27c: {  	v52 =	vor.u32 s0, v11;
	v16 =	vadd.f32 v17, v16  }
0x27d: {  	v17 =	vld.idx.msk [tilespmem:v51+s26+$0x0], $0xffff  }
0x27e: {  	v53 =	vor.u32 s0, v12;
	v16 =	vadd.f32 v18, v16  }
0x27f: {  	v18 =	vld.idx.msk [tilespmem:v20+s26+$0x0], $0xffff  }
0x280: {  	v20 =	vor.u32 s0, v13;
	v16 =	vadd.f32 v19, v16  }
0x281: {  	v19 =	vld.idx.msk [tilespmem:v52+s26+$0x0], $0xffff  }
0x282: {  	v54 =	vor.u32 s0, v14;
	v16 =	vadd.f32 v17, v16  }
0x283: {  	v17 =	vld.idx.msk [tilespmem:v53+s26+$0x0], $0xffff  }
0x284: {  	v55 =	vor.u32 s0, v15;
	v16 =	vadd.f32 v18, v16  }
0x285: {  	v18 =	vld.idx.msk [tilespmem:v20+s26+$0x0], $0xffff  }
0x286: {  	v16 =	vadd.f32 v19, v16  }
0x287: {  	v19 =	vld.idx.msk [tilespmem:v54+s26+$0x0], $0xffff  }
0x288: {  	v16 =	vadd.f32 v17, v16  }
0x289: {  	v17 =	vld.idx.msk [tilespmem:v55+s26+$0x0], $0xffff  }
0x28a: {  	s3 =	simm.s32 $0x10500;
	v16 =	vadd.f32 v18, v16  }
0x28b: {  	v18 =	vld [tilespmem:s3+$0x0]  }
0x28c: {  	s3 =	simm.s32 $0x10700;
	v16 =	vadd.f32 v19, v16  }
0x28d: {  	v19 =	vld [tilespmem:s3+$0x0]  }
0x28e: {  	v16 =	vadd.f32 v17, v16  }
0x28f: {  	s3 =	simm.s32 $0x1100  }
0x290: {  	v17 =	vor.u32 s3, v1;
	v16 =	vadd.f32 v18, v16  }
0x291: {  	v18 =	vor.u32 s3, v0  }
0x292: {  	v16 =	vadd.f32 v19, v16  }
0x293: {  	s30 =	simm.s32 $0x12900;
	v19 =	vor.u32 s3, v2  }
0x294: {  	[tilespmem:s30+$0x0] =	vst v16  }
0x295: {  	v16 =	vld.idx.msk [tilespmem:v17+s26+$0x0], $0xffff;
	v17 =	vor.u32 s3, v3  }
0x296: {  	v18 =	vld.idx.msk [tilespmem:v18+s26+$0x0], $0xffff  }
0x297: {  	v20 =	vor.u32 s3, v4  }
0x298: {  	v19 =	vld.idx.msk [tilespmem:v19+s26+$0x0], $0xffff  }
0x299: {  	v56 =	vor.u32 s3, v5  }
0x29a: {  	v17 =	vld.idx.msk [tilespmem:v17+s26+$0x0], $0xffff  }
0x29b: {  	v57 =	vor.u32 s3, v6;
	v16 =	vadd.f32 v16, v18  }
0x29c: {  	v18 =	vld.idx.msk [tilespmem:v20+s26+$0x0], $0xffff  }
0x29d: {  	v20 =	vor.u32 s3, v7;
	v16 =	vadd.f32 v19, v16  }
0x29e: {  	v19 =	vld.idx.msk [tilespmem:v56+s26+$0x0], $0xffff  }
0x29f: {  	v58 =	vor.u32 s3, v8;
	v16 =	vadd.f32 v17, v16  }
0x2a0: {  	v17 =	vld.idx.msk [tilespmem:v57+s26+$0x0], $0xffff  }
0x2a1: {  	v59 =	vor.u32 s3, v9;
	v16 =	vadd.f32 v18, v16  }
0x2a2: {  	v18 =	vld.idx.msk [tilespmem:v20+s26+$0x0], $0xffff  }
0x2a3: {  	v20 =	vor.u32 s3, v10;
	v16 =	vadd.f32 v19, v16  }
0x2a4: {  	v19 =	vld.idx.msk [tilespmem:v58+s26+$0x0], $0xffff  }
0x2a5: {  	v60 =	vor.u32 s3, v11;
	v16 =	vadd.f32 v17, v16  }
0x2a6: {  	v17 =	vld.idx.msk [tilespmem:v59+s26+$0x0], $0xffff  }
0x2a7: {  	v61 =	vor.u32 s3, v12;
	v16 =	vadd.f32 v18, v16  }
0x2a8: {  	v18 =	vld.idx.msk [tilespmem:v20+s26+$0x0], $0xffff  }
0x2a9: {  	v20 =	vor.u32 s3, v13;
	v16 =	vadd.f32 v19, v16  }
0x2aa: {  	v19 =	vld.idx.msk [tilespmem:v60+s26+$0x0], $0xffff  }
0x2ab: {  	v62 =	vor.u32 s3, v14;
	v16 =	vadd.f32 v17, v16  }
0x2ac: {  	v17 =	vld.idx.msk [tilespmem:v61+s26+$0x0], $0xffff  }
0x2ad: {  	v63 =	vor.u32 s3, v15;
	v16 =	vadd.f32 v18, v16  }
0x2ae: {  	v18 =	vld.idx.msk [tilespmem:v20+s26+$0x0], $0xffff  }
0x2af: {  	v16 =	vadd.f32 v19, v16  }
0x2b0: {  	v19 =	vld.idx.msk [tilespmem:v62+s26+$0x0], $0xffff  }
0x2b1: {  	v16 =	vadd.f32 v17, v16  }
0x2b2: {  	v17 =	vld.idx.msk [tilespmem:v63+s26+$0x0], $0xffff  }
0x2b3: {  	s31 =	simm.s32 $0x10510;
	v16 =	vadd.f32 v18, v16  }
0x2b4: {  	v20 =	vld [tilespmem:s31+$0x0]  }
0x2b5: {  	s0 =	simm.s32 $0x10710;
	v16 =	vadd.f32 v19, v16  }
0x2b6: {  	v18 =	vld [tilespmem:s0+$0x0]  }
0x2b7: {  	v17 =	vadd.f32 v17, v16  }
0x2b8: {  	s3 =	simm.s32 $0x1200  }
0x2b9: {  	v16 =	vor.u32 s3, v1;
	v19 =	vadd.f32 v20, v17  }
0x2ba: {  	s28 =	simm.s32 $0x1300;
	v17 =	vor.u32 s3, v0  }
.LBB2_14:
0x2bb: {  	p0 =	sne.s32 s28, $0x1700;
	v18 =	vadd.f32 v18, v19  }
0x2bc: {  	v19 =	vor.u32 s3, v2;
	s30 =	sadd.s32 $0x10, s30  }
0x2bd: {  	[tilespmem:s30+$0x0] =	vst v18  }
0x2be: {  	v18 =	vor.u32 s3, v3;
	v16 =	vld.idx.msk [tilespmem:v16+s26+$0x0], $0xffff  }
0x2bf: {  	v17 =	vld.idx.msk [tilespmem:v17+s26+$0x0], $0xffff  }
0x2c0: {  	v20 =	vor.u32 s3, v4  }
0x2c1: {  	v19 =	vld.idx.msk [tilespmem:v19+s26+$0x0], $0xffff  }
0x2c2: {  	v21 =	vor.u32 s3, v5  }
0x2c3: {  	v18 =	vld.idx.msk [tilespmem:v18+s26+$0x0], $0xffff  }
0x2c4: {  	v22 =	vor.u32 s3, v6  }
0x2c5: {  	v16 =	vadd.f32 v16, v17;
	v17 =	vld.idx.msk [tilespmem:v20+s26+$0x0], $0xffff  }
0x2c6: {  	v20 =	vor.u32 s3, v7  }
0x2c7: {  	v16 =	vadd.f32 v19, v16;
	v19 =	vld.idx.msk [tilespmem:v21+s26+$0x0], $0xffff  }
0x2c8: {  	v21 =	vor.u32 s3, v8  }
0x2c9: {  	v16 =	vadd.f32 v18, v16;
	v18 =	vld.idx.msk [tilespmem:v22+s26+$0x0], $0xffff  }
0x2ca: {  	v22 =	vor.u32 s3, v9  }
0x2cb: {  	v16 =	vadd.f32 v17, v16;
	v17 =	vld.idx.msk [tilespmem:v20+s26+$0x0], $0xffff  }
0x2cc: {  	v20 =	vor.u32 s3, v10  }
0x2cd: {  	v16 =	vadd.f32 v19, v16;
	v19 =	vld.idx.msk [tilespmem:v21+s26+$0x0], $0xffff  }
0x2ce: {  	v21 =	vor.u32 s3, v11  }
0x2cf: {  	v16 =	vadd.f32 v18, v16;
	v18 =	vld.idx.msk [tilespmem:v22+s26+$0x0], $0xffff  }
0x2d0: {  	v22 =	vor.u32 s3, v12  }
0x2d1: {  	v16 =	vadd.f32 v17, v16;
	v17 =	vld.idx.msk [tilespmem:v20+s26+$0x0], $0xffff  }
0x2d2: {  	v20 =	vor.u32 s3, v13  }
0x2d3: {  	v16 =	vadd.f32 v19, v16;
	v19 =	vld.idx.msk [tilespmem:v21+s26+$0x0], $0xffff  }
0x2d4: {  	v21 =	vor.u32 s3, v14  }
0x2d5: {  	v16 =	vadd.f32 v18, v16;
	v18 =	vld.idx.msk [tilespmem:v22+s26+$0x0], $0xffff  }
0x2d6: {  	v22 =	vor.u32 s3, v15;
	s3 =	smov.u32 s28  }
0x2d7: {  	v16 =	vadd.f32 v17, v16;
	v17 =	vld.idx.msk [tilespmem:v20+s26+$0x0], $0xffff;
	_ =	sdelay $0x1  }
0x2d8: {  	v16 =	vadd.f32 v19, v16;
	v19 =	vld.idx.msk [tilespmem:v21+s26+$0x0], $0xffff;
	_ =	sdelay $0x1  }
0x2d9: {  	v16 =	vadd.f32 v18, v16;
	v20 =	vld.idx.msk [tilespmem:v22+s26+$0x0], $0xffff;
	_ =	sdelay $0x1  }
0x2da: {  	s31 =	sadd.s32 $0x10, s31;
	v16 =	vadd.f32 v17, v16  }
0x2db: {  	v17 =	vld [tilespmem:s31+$0x0]  }
0x2dc: {  	s0 =	sadd.s32 $0x10, s0;
	v16 =	vadd.f32 v19, v16  }
.Ltmp6:
0x2dd: {  	v18 =	vld [tilespmem:s0+$0x0];
	(pc) =	sbr.rel @p0 .LBB2_14-.Ltmp6, $3  }
0x2de: {  	v19 =	vadd.f32 v20, v16;
	_ =	sdelay $0x1  }
0x2df: {  	v16 =	vor.u32 s28, v1;
	v19 =	vadd.f32 v17, v19  }
0x2e0: {  	s28 =	sadd.s32 $0x100, s28;
	v17 =	vor.u32 s3, v0  }
0x2e1: {  	_ = 	snop  }
0x2e2: {  	v18 =	vadd.f32 v18, v19  }
0x2e3: {  	v19 =	vor.u32 s3, v2;
	s28 =	sadd.s32 $0x10, s30  }
0x2e4: {  	[tilespmem:s28+$0x0] =	vst v18  }
0x2e5: {  	v18 =	vor.u32 s3, v3;
	v16 =	vld.idx.msk [tilespmem:v16+s26+$0x0], $0xffff  }
0x2e6: {  	v17 =	vld.idx.msk [tilespmem:v17+s26+$0x0], $0xffff  }
0x2e7: {  	v20 =	vor.u32 s3, v4  }
0x2e8: {  	v19 =	vld.idx.msk [tilespmem:v19+s26+$0x0], $0xffff  }
0x2e9: {  	v21 =	vor.u32 s3, v5  }
0x2ea: {  	v18 =	vld.idx.msk [tilespmem:v18+s26+$0x0], $0xffff  }
0x2eb: {  	v22 =	vor.u32 s3, v6;
	v16 =	vadd.f32 v16, v17  }
0x2ec: {  	v17 =	vld.idx.msk [tilespmem:v20+s26+$0x0], $0xffff  }
0x2ed: {  	v20 =	vor.u32 s3, v7;
	v16 =	vadd.f32 v19, v16  }
0x2ee: {  	v19 =	vld.idx.msk [tilespmem:v21+s26+$0x0], $0xffff  }
0x2ef: {  	v42 =	vor.u32 s3, v8;
	v16 =	vadd.f32 v18, v16  }
0x2f0: {  	v18 =	vld.idx.msk [tilespmem:v22+s26+$0x0], $0xffff  }
0x2f1: {  	v43 =	vor.u32 s3, v9;
	v16 =	vadd.f32 v17, v16  }
0x2f2: {  	v17 =	vld.idx.msk [tilespmem:v20+s26+$0x0], $0xffff  }
0x2f3: {  	v20 =	vor.u32 s3, v10;
	v16 =	vadd.f32 v19, v16  }
0x2f4: {  	v19 =	vld.idx.msk [tilespmem:v42+s26+$0x0], $0xffff  }
0x2f5: {  	v44 =	vor.u32 s3, v11;
	v16 =	vadd.f32 v18, v16  }
0x2f6: {  	v18 =	vld.idx.msk [tilespmem:v43+s26+$0x0], $0xffff  }
0x2f7: {  	v45 =	vor.u32 s3, v12;
	v16 =	vadd.f32 v17, v16  }
0x2f8: {  	v17 =	vld.idx.msk [tilespmem:v20+s26+$0x0], $0xffff  }
0x2f9: {  	v20 =	vor.u32 s3, v13;
	v16 =	vadd.f32 v19, v16  }
0x2fa: {  	v19 =	vld.idx.msk [tilespmem:v44+s26+$0x0], $0xffff  }
0x2fb: {  	v46 =	vor.u32 s3, v14;
	v16 =	vadd.f32 v18, v16  }
0x2fc: {  	v18 =	vld.idx.msk [tilespmem:v45+s26+$0x0], $0xffff  }
0x2fd: {  	v47 =	vor.u32 s3, v15;
	v16 =	vadd.f32 v17, v16  }
0x2fe: {  	v17 =	vld.idx.msk [tilespmem:v20+s26+$0x0], $0xffff  }
0x2ff: {  	v16 =	vadd.f32 v19, v16  }
0x300: {  	v19 =	vld.idx.msk [tilespmem:v46+s26+$0x0], $0xffff  }
0x301: {  	v16 =	vadd.f32 v18, v16  }
0x302: {  	v18 =	vld.idx.msk [tilespmem:v47+s26+$0x0], $0xffff  }
0x303: {  	s3 =	sadd.s32 $0x10, s31;
	v16 =	vadd.f32 v17, v16  }
0x304: {  	v17 =	vld [tilespmem:s3+$0x0]  }
0x305: {  	s0 =	sadd.s32 $0x10, s0;
	v16 =	vadd.f32 v19, v16  }
0x306: {  	v19 =	vld [tilespmem:s0+$0x0]  }
0x307: {  	v16 =	vadd.f32 v18, v16  }
0x308: {  	s0 =	simm.s32 $0x1800  }
0x309: {  	v16 =	vadd.f32 v17, v16;
	v17 =	vor.u32 s0, v1  }
0x30a: {  	v18 =	vor.u32 s0, v0  }
0x30b: {  	v16 =	vadd.f32 v19, v16  }
0x30c: {  	s3 =	sadd.s32 $0x10, s28;
	v19 =	vor.u32 s0, v2  }
0x30d: {  	[tilespmem:s3+$0x0] =	vst v16  }
0x30e: {  	v16 =	vld.idx.msk [tilespmem:v17+s26+$0x0], $0xffff;
	v17 =	vor.u32 s0, v3  }
0x30f: {  	v18 =	vld.idx.msk [tilespmem:v18+s26+$0x0], $0xffff  }
0x310: {  	v20 =	vor.u32 s0, v4  }
0x311: {  	v19 =	vld.idx.msk [tilespmem:v19+s26+$0x0], $0xffff  }
0x312: {  	v48 =	vor.u32 s0, v5  }
0x313: {  	v17 =	vld.idx.msk [tilespmem:v17+s26+$0x0], $0xffff  }
0x314: {  	v49 =	vor.u32 s0, v6;
	v16 =	vadd.f32 v16, v18  }
0x315: {  	v18 =	vld.idx.msk [tilespmem:v20+s26+$0x0], $0xffff  }
0x316: {  	v20 =	vor.u32 s0, v7;
	v16 =	vadd.f32 v19, v16  }
0x317: {  	v19 =	vld.idx.msk [tilespmem:v48+s26+$0x0], $0xffff  }
0x318: {  	v50 =	vor.u32 s0, v8;
	v16 =	vadd.f32 v17, v16  }
0x319: {  	v17 =	vld.idx.msk [tilespmem:v49+s26+$0x0], $0xffff  }
0x31a: {  	v51 =	vor.u32 s0, v9;
	v16 =	vadd.f32 v18, v16  }
0x31b: {  	v18 =	vld.idx.msk [tilespmem:v20+s26+$0x0], $0xffff  }
0x31c: {  	v20 =	vor.u32 s0, v10;
	v16 =	vadd.f32 v19, v16  }
0x31d: {  	v19 =	vld.idx.msk [tilespmem:v50+s26+$0x0], $0xffff  }
0x31e: {  	v52 =	vor.u32 s0, v11;
	v16 =	vadd.f32 v17, v16  }
0x31f: {  	v17 =	vld.idx.msk [tilespmem:v51+s26+$0x0], $0xffff  }
0x320: {  	v53 =	vor.u32 s0, v12;
	v16 =	vadd.f32 v18, v16  }
0x321: {  	v18 =	vld.idx.msk [tilespmem:v20+s26+$0x0], $0xffff  }
0x322: {  	v20 =	vor.u32 s0, v13;
	v16 =	vadd.f32 v19, v16  }
0x323: {  	v19 =	vld.idx.msk [tilespmem:v52+s26+$0x0], $0xffff  }
0x324: {  	v54 =	vor.u32 s0, v14;
	v16 =	vadd.f32 v17, v16  }
0x325: {  	v17 =	vld.idx.msk [tilespmem:v53+s26+$0x0], $0xffff  }
0x326: {  	v55 =	vor.u32 s0, v15;
	v16 =	vadd.f32 v18, v16  }
0x327: {  	v18 =	vld.idx.msk [tilespmem:v20+s26+$0x0], $0xffff  }
0x328: {  	v16 =	vadd.f32 v19, v16  }
0x329: {  	v19 =	vld.idx.msk [tilespmem:v54+s26+$0x0], $0xffff  }
0x32a: {  	v16 =	vadd.f32 v17, v16  }
0x32b: {  	v17 =	vld.idx.msk [tilespmem:v55+s26+$0x0], $0xffff  }
0x32c: {  	s3 =	simm.s32 $0x10580;
	v16 =	vadd.f32 v18, v16  }
0x32d: {  	v18 =	vld [tilespmem:s3+$0x0]  }
0x32e: {  	s3 =	simm.s32 $0x10780;
	v16 =	vadd.f32 v19, v16  }
0x32f: {  	v19 =	vld [tilespmem:s3+$0x0]  }
0x330: {  	v16 =	vadd.f32 v17, v16  }
0x331: {  	s3 =	simm.s32 $0x1900  }
0x332: {  	v17 =	vor.u32 s3, v1;
	v16 =	vadd.f32 v18, v16  }
0x333: {  	v18 =	vor.u32 s3, v0  }
0x334: {  	v16 =	vadd.f32 v19, v16  }
0x335: {  	s30 =	simm.s32 $0x12980;
	v19 =	vor.u32 s3, v2  }
0x336: {  	[tilespmem:s30+$0x0] =	vst v16  }
0x337: {  	v16 =	vld.idx.msk [tilespmem:v17+s26+$0x0], $0xffff;
	v17 =	vor.u32 s3, v3  }
0x338: {  	v18 =	vld.idx.msk [tilespmem:v18+s26+$0x0], $0xffff  }
0x339: {  	v20 =	vor.u32 s3, v4  }
0x33a: {  	v19 =	vld.idx.msk [tilespmem:v19+s26+$0x0], $0xffff  }
0x33b: {  	v56 =	vor.u32 s3, v5  }
0x33c: {  	v17 =	vld.idx.msk [tilespmem:v17+s26+$0x0], $0xffff  }
0x33d: {  	v57 =	vor.u32 s3, v6;
	v16 =	vadd.f32 v16, v18  }
0x33e: {  	v18 =	vld.idx.msk [tilespmem:v20+s26+$0x0], $0xffff  }
0x33f: {  	v20 =	vor.u32 s3, v7;
	v16 =	vadd.f32 v19, v16  }
0x340: {  	v19 =	vld.idx.msk [tilespmem:v56+s26+$0x0], $0xffff  }
0x341: {  	v58 =	vor.u32 s3, v8;
	v16 =	vadd.f32 v17, v16  }
0x342: {  	v17 =	vld.idx.msk [tilespmem:v57+s26+$0x0], $0xffff  }
0x343: {  	v59 =	vor.u32 s3, v9;
	v16 =	vadd.f32 v18, v16  }
0x344: {  	v18 =	vld.idx.msk [tilespmem:v20+s26+$0x0], $0xffff  }
0x345: {  	v20 =	vor.u32 s3, v10;
	v16 =	vadd.f32 v19, v16  }
0x346: {  	v19 =	vld.idx.msk [tilespmem:v58+s26+$0x0], $0xffff  }
0x347: {  	v60 =	vor.u32 s3, v11;
	v16 =	vadd.f32 v17, v16  }
0x348: {  	v17 =	vld.idx.msk [tilespmem:v59+s26+$0x0], $0xffff  }
0x349: {  	v61 =	vor.u32 s3, v12;
	v16 =	vadd.f32 v18, v16  }
0x34a: {  	v18 =	vld.idx.msk [tilespmem:v20+s26+$0x0], $0xffff  }
0x34b: {  	v20 =	vor.u32 s3, v13;
	v16 =	vadd.f32 v19, v16  }
0x34c: {  	v19 =	vld.idx.msk [tilespmem:v60+s26+$0x0], $0xffff  }
0x34d: {  	v62 =	vor.u32 s3, v14;
	v16 =	vadd.f32 v17, v16  }
0x34e: {  	v17 =	vld.idx.msk [tilespmem:v61+s26+$0x0], $0xffff  }
0x34f: {  	v63 =	vor.u32 s3, v15;
	v16 =	vadd.f32 v18, v16  }
0x350: {  	v18 =	vld.idx.msk [tilespmem:v20+s26+$0x0], $0xffff  }
0x351: {  	v16 =	vadd.f32 v19, v16  }
0x352: {  	v19 =	vld.idx.msk [tilespmem:v62+s26+$0x0], $0xffff  }
0x353: {  	v16 =	vadd.f32 v17, v16  }
0x354: {  	v17 =	vld.idx.msk [tilespmem:v63+s26+$0x0], $0xffff  }
0x355: {  	s31 =	simm.s32 $0x10590;
	v16 =	vadd.f32 v18, v16  }
0x356: {  	v20 =	vld [tilespmem:s31+$0x0]  }
0x357: {  	s0 =	simm.s32 $0x10790;
	v16 =	vadd.f32 v19, v16  }
0x358: {  	v18 =	vld [tilespmem:s0+$0x0]  }
0x359: {  	v17 =	vadd.f32 v17, v16  }
0x35a: {  	s3 =	simm.s32 $0x1A00  }
0x35b: {  	v16 =	vor.u32 s3, v1;
	v19 =	vadd.f32 v20, v17  }
0x35c: {  	s28 =	simm.s32 $0x1B00;
	v17 =	vor.u32 s3, v0  }
.LBB2_16:
0x35d: {  	p0 =	sne.s32 s28, $0x1F00;
	v18 =	vadd.f32 v18, v19  }
0x35e: {  	v19 =	vor.u32 s3, v2;
	s30 =	sadd.s32 $0x10, s30  }
0x35f: {  	[tilespmem:s30+$0x0] =	vst v18  }
0x360: {  	v18 =	vor.u32 s3, v3;
	v16 =	vld.idx.msk [tilespmem:v16+s26+$0x0], $0xffff  }
0x361: {  	v17 =	vld.idx.msk [tilespmem:v17+s26+$0x0], $0xffff  }
0x362: {  	v20 =	vor.u32 s3, v4  }
0x363: {  	v19 =	vld.idx.msk [tilespmem:v19+s26+$0x0], $0xffff  }
0x364: {  	v21 =	vor.u32 s3, v5  }
0x365: {  	v18 =	vld.idx.msk [tilespmem:v18+s26+$0x0], $0xffff  }
0x366: {  	v22 =	vor.u32 s3, v6  }
0x367: {  	v16 =	vadd.f32 v16, v17;
	v17 =	vld.idx.msk [tilespmem:v20+s26+$0x0], $0xffff  }
0x368: {  	v20 =	vor.u32 s3, v7  }
0x369: {  	v16 =	vadd.f32 v19, v16;
	v19 =	vld.idx.msk [tilespmem:v21+s26+$0x0], $0xffff  }
0x36a: {  	v21 =	vor.u32 s3, v8  }
0x36b: {  	v16 =	vadd.f32 v18, v16;
	v18 =	vld.idx.msk [tilespmem:v22+s26+$0x0], $0xffff  }
0x36c: {  	v22 =	vor.u32 s3, v9  }
0x36d: {  	v16 =	vadd.f32 v17, v16;
	v17 =	vld.idx.msk [tilespmem:v20+s26+$0x0], $0xffff  }
0x36e: {  	v20 =	vor.u32 s3, v10  }
0x36f: {  	v16 =	vadd.f32 v19, v16;
	v19 =	vld.idx.msk [tilespmem:v21+s26+$0x0], $0xffff  }
0x370: {  	v21 =	vor.u32 s3, v11  }
0x371: {  	v16 =	vadd.f32 v18, v16;
	v18 =	vld.idx.msk [tilespmem:v22+s26+$0x0], $0xffff  }
0x372: {  	v22 =	vor.u32 s3, v12  }
0x373: {  	v16 =	vadd.f32 v17, v16;
	v17 =	vld.idx.msk [tilespmem:v20+s26+$0x0], $0xffff  }
0x374: {  	v20 =	vor.u32 s3, v13  }
0x375: {  	v16 =	vadd.f32 v19, v16;
	v19 =	vld.idx.msk [tilespmem:v21+s26+$0x0], $0xffff  }
0x376: {  	v21 =	vor.u32 s3, v14  }
0x377: {  	v16 =	vadd.f32 v18, v16;
	v18 =	vld.idx.msk [tilespmem:v22+s26+$0x0], $0xffff  }
0x378: {  	v22 =	vor.u32 s3, v15;
	s3 =	smov.u32 s28  }
0x379: {  	v16 =	vadd.f32 v17, v16;
	v17 =	vld.idx.msk [tilespmem:v20+s26+$0x0], $0xffff;
	_ =	sdelay $0x1  }
0x37a: {  	v16 =	vadd.f32 v19, v16;
	v19 =	vld.idx.msk [tilespmem:v21+s26+$0x0], $0xffff;
	_ =	sdelay $0x1  }
0x37b: {  	v16 =	vadd.f32 v18, v16;
	v20 =	vld.idx.msk [tilespmem:v22+s26+$0x0], $0xffff;
	_ =	sdelay $0x1  }
0x37c: {  	s31 =	sadd.s32 $0x10, s31;
	v16 =	vadd.f32 v17, v16  }
0x37d: {  	v17 =	vld [tilespmem:s31+$0x0]  }
0x37e: {  	s0 =	sadd.s32 $0x10, s0;
	v16 =	vadd.f32 v19, v16  }
.Ltmp7:
0x37f: {  	v18 =	vld [tilespmem:s0+$0x0];
	(pc) =	sbr.rel @p0 .LBB2_16-.Ltmp7, $3  }
0x380: {  	v19 =	vadd.f32 v20, v16;
	_ =	sdelay $0x1  }
0x381: {  	v16 =	vor.u32 s28, v1;
	v19 =	vadd.f32 v17, v19  }
0x382: {  	s28 =	sadd.s32 $0x100, s28;
	v17 =	vor.u32 s3, v0  }
0x383: {  	_ = 	snop  }
0x384: {  	v18 =	vadd.f32 v18, v19  }
0x385: {  	v44 =	vor.u32 s3, v2;
	s28 =	sadd.s32 $0x10, s30  }
0x386: {  	[tilespmem:s28+$0x0] =	vst v18  }
0x387: {  	v45 =	vor.u32 s3, v3;
	v16 =	vld.idx.msk [tilespmem:v16+s26+$0x0], $0xffff  }
0x388: {  	v17 =	vld.idx.msk [tilespmem:v17+s26+$0x0], $0xffff  }
0x389: {  	v20 =	vor.u32 s3, v4  }
0x38a: {  	v19 =	vld.idx.msk [tilespmem:v44+s26+$0x0], $0xffff  }
0x38b: {  	v21 =	vor.u32 s3, v5  }
0x38c: {  	v18 =	vld.idx.msk [tilespmem:v45+s26+$0x0], $0xffff  }
0x38d: {  	v22 =	vor.u32 s3, v6;
	v16 =	vadd.f32 v16, v17  }
0x38e: {  	v17 =	vld.idx.msk [tilespmem:v20+s26+$0x0], $0xffff  }
0x38f: {  	v46 =	vor.u32 s3, v7;
	v16 =	vadd.f32 v19, v16  }
0x390: {  	v47 =	vld.idx.msk [tilespmem:v21+s26+$0x0], $0xffff  }
0x391: {  	v48 =	vor.u32 s3, v8;
	v16 =	vadd.f32 v18, v16  }
0x392: {  	v49 =	vld.idx.msk [tilespmem:v22+s26+$0x0], $0xffff  }
0x393: {  	v50 =	vor.u32 s3, v9;
	v16 =	vadd.f32 v17, v16  }
0x394: {  	v17 =	vld.idx.msk [tilespmem:v46+s26+$0x0], $0xffff  }
0x395: {  	v51 =	vor.u32 s3, v10;
	v16 =	vadd.f32 v47, v16  }
0x396: {  	v52 =	vld.idx.msk [tilespmem:v48+s26+$0x0], $0xffff  }
0x397: {  	v53 =	vor.u32 s3, v11;
	v16 =	vadd.f32 v49, v16  }
0x398: {  	v54 =	vld.idx.msk [tilespmem:v50+s26+$0x0], $0xffff  }
0x399: {  	v55 =	vor.u32 s3, v12;
	v16 =	vadd.f32 v17, v16  }
0x39a: {  	v17 =	vld.idx.msk [tilespmem:v51+s26+$0x0], $0xffff  }
0x39b: {  	v56 =	vor.u32 s3, v13;
	v16 =	vadd.f32 v52, v16  }
0x39c: {  	v57 =	vld.idx.msk [tilespmem:v53+s26+$0x0], $0xffff  }
0x39d: {  	v58 =	vor.u32 s3, v14;
	v16 =	vadd.f32 v54, v16  }
0x39e: {  	v59 =	vld.idx.msk [tilespmem:v55+s26+$0x0], $0xffff  }
0x39f: {  	v60 =	vor.u32 s3, v15;
	v16 =	vadd.f32 v17, v16  }
0x3a0: {  	v17 =	vld.idx.msk [tilespmem:v56+s26+$0x0], $0xffff  }
0x3a1: {  	v16 =	vadd.f32 v57, v16  }
0x3a2: {  	v61 =	vld.idx.msk [tilespmem:v58+s26+$0x0], $0xffff  }
0x3a3: {  	v16 =	vadd.f32 v59, v16  }
0x3a4: {  	v62 =	vld.idx.msk [tilespmem:v60+s26+$0x0], $0xffff  }
0x3a5: {  	s31 =	sadd.s32 $0x10, s31;
	v16 =	vadd.f32 v17, v16  }
0x3a6: {  	v17 =	vld [tilespmem:s31+$0x0]  }
0x3a7: {  	s0 =	sadd.s32 $0x10, s0;
	v16 =	vadd.f32 v61, v16  }
0x3a8: {  	v63 =	vld [tilespmem:s0+$0x0]  }
0x3a9: {  	v16 =	vadd.f32 v62, v16;
	_ =	sdelay $0x1  }
0x3aa: {  	v16 =	vadd.f32 v17, v16;
	_ =	sdelay $0x1  }
0x3ab: {  	s29 =	sadd.s32 $0x1, s29;
	v16 =	vadd.f32 v63, v16  }
0x3ac: {  	s30 =	sadd.s32 $0x10, s28;
	p0 =	sne.s32 s29, s16  }
.Ltmp8:
0x3ad: {  	s31 =	simm.s32 $0x12800;
	[tilespmem:s30+$0x0] =	vst v16;
	(pc) =	sbr.rel @p0 .LBB2_1-.Ltmp8, $4  }
0x3ae: {  	[hbm4b:s15+s2] =	stream.linear.scatter [tilespmem:s31], [sflag:$0x2], $0x200, $0x38;
	[tilespmem:$0x12A00] =	vst v63  }
0x3af: {  	_ =	swait.ge [sflag:s17], $0x200  }
0x3b0: {  	[sflag:s17] =	ssyncset.done $0x0  }
0x3b1: {  	[sflag:s17] =	ssyncadd.s32 $0xFFFFFE00  }
0x3b2: {  	_ =	sfence.sel $0x180000  }
0x3b3: {  	[bflag:$0x0] =	sbarrier.arrive $0xFFFF  }
0x3b4: {  	_ =	strace $0x90000047  }
0x3b5: {  	s0 =	stileid.u32;
	[bflag:$0x2] =	sbarrier.arrive $0xFFFF  }
0x3b6: {  	p0 =	sne.s32 s0, $0x0;
	s0 =	rddreg [dreg:$0x4]  }
0x3b7: {  	s0 =	sadd.s32 @!p0 $0x100000, s0  }
0x3b8: {  	[sflag:s0] =	ssyncadd.tile.s32 @!p0 $0x1;
	_ =	shalt  }
.Lfunc_end2:
_tile_overlayer_lowered:
.L_overlay_start_2:
0x3b9: {  	(tag) =	ssettag $0x2  }
0x3ba: {  	s0 =	rddreg [dreg:$0x0];
	s2 =	stileid.u32  }
0x3bb: {  	s1 =	rddreg [dreg:$0x1];
	p0 =	sne.s32 s2, $0x0  }
0x3bc: {  	s3 =	rddreg [dreg:$0x2];
	[bflag:$0x3] =	sbarrier.arrive $0xFFFF;
	s2 =	simm.s32 @!p0 $0x1C02  }
0x3bd: {  	[timem:s3], [sflag:s2] =	dma.local @!p0 [hbm:s0], s1  }
0x3be: {  	s0 =	simm.s32 @!p0 $0x2  }
0x3bf: {  	_ =	swait.ge @!p0 [sflag:s0], s1  }
0x3c0: {  	s1 =	ssub.s32 @!p0 $0x0, s1;
	[sflag:s0] =	ssyncset.done @!p0 $0x0  }
0x3c1: {  	[sflag:s0] =	ssyncadd.s32 @!p0 s1  }
0x3c2: {  	[bflag:$0x3] =	sbarrier.arrive $0xFFFF  }
0x3c3: {  	_ =	shalt  }

</sc_bundles>
